<compile_context>
chip_gen: v7x
topology: tpu7x:2x2x1
jax: 0.10.2.dev20260603
libtpu: 0.0.44.dev20260713+nightly
codegen_flags: <defaults>
</compile_context>

<pallas_src>
import functools

import jax
import jax.numpy as jnp
from jax import lax
from jax.experimental import pallas as pl
from jax.experimental.pallas import tpu as pltpu
from jax.experimental.pallas import tpu_sc as plsc

N = 10000
E = 320000
DIN = 128
DE = 16
DOUT = 128

NC = 2
NS = 16
NW = NC * NS
EPW = E // NW
BLK = 80
NBLK = EPW // BLK
CH = 25
NCHUNK = NBLK // CH
WB_TILES = 10
WB_ROWS = N // WB_TILES



def _p_body(x_ref, w_ref, o_ref):
    o_ref[...] = jnp.dot(x_ref[...], w_ref[...],
                         preferred_element_type=jnp.float32)


def _tc_p(nfeats, w1):
    return pl.pallas_call(
        _p_body,
        grid=(10,),
        in_specs=[
            pl.BlockSpec((1000, DIN), lambda i: (i, 0)),
            pl.BlockSpec((DIN, DOUT), lambda i: (0, 0)),
        ],
        out_specs=pl.BlockSpec((1000, DOUT), lambda i: (i, 0)),
        out_shape=jax.ShapeDtypeStruct((N, DOUT), jnp.float32),
    )(nfeats, w1)


QB = 6400


def _q_body(et_ref, w_ref, b_ref, o_ref):
    o_ref[...] = lax.dot_general(
        et_ref[...], w_ref[...], (((0,), (0,)), ((), ())),
        preferred_element_type=jnp.float32) + b_ref[...]


def _tc_q(efeats_t, w2, b):
    return pl.pallas_call(
        _q_body,
        grid=(E // QB,),
        in_specs=[
            pl.BlockSpec((DE, QB), lambda i: (0, i)),
            pl.BlockSpec((DE, DOUT), lambda i: (0, 0)),
            pl.BlockSpec((1, DOUT), lambda i: (0, 0)),
        ],
        out_specs=pl.BlockSpec((QB, DOUT), lambda i: (i, 0)),
        out_shape=jax.ShapeDtypeStruct((E, DOUT), jnp.float32),
    )(efeats_t, w2, b.reshape(1, DOUT))


def _apply_body(x_ref, h0_ref, h1_ref, wa1_ref, wa2_ref, b_ref, o_ref):
    acc = jnp.dot(x_ref[...], wa1_ref[...], preferred_element_type=jnp.float32)
    acc += jnp.dot(h0_ref[...] + h1_ref[...], wa2_ref[...],
                   preferred_element_type=jnp.float32)
    o_ref[...] = jnp.maximum(acc + b_ref[...], 0.0)


def _tc_apply(nfeats, h0, h1, wa1, wa2, b):
    return pl.pallas_call(
        _apply_body,
        grid=(10,),
        in_specs=[
            pl.BlockSpec((1000, DIN), lambda i: (i, 0)),
            pl.BlockSpec((1000, DOUT), lambda i: (i, 0)),
            pl.BlockSpec((1000, DOUT), lambda i: (i, 0)),
            pl.BlockSpec((DIN, DOUT), lambda i: (0, 0)),
            pl.BlockSpec((DOUT, DOUT), lambda i: (0, 0)),
            pl.BlockSpec((1, DOUT), lambda i: (0, 0)),
        ],
        out_specs=pl.BlockSpec((1000, DOUT), lambda i: (i, 0)),
        out_shape=jax.ShapeDtypeStruct((N, DOUT), jnp.float32),
    )(nfeats, h0, h1, wa1, wa2, b.reshape(1, DOUT))



def _sc_body(p_hbm, q_hbm, src_hbm, dst_hbm, out_hbm,
             sidx, dblk0, dblk1, prow0, prow1, qrow0, qrow1, acc,
             sg0, sg1, sq0, sq1, sd0, sd1):
    cid = lax.axis_index("c")
    sid = lax.axis_index("s")
    wid = sid * NC + cid
    ebase = wid * EPW

    prows = (prow0, prow1)
    qrows = (qrow0, qrow1)
    dblks = (dblk0, dblk1)
    sgs = (sg0, sg1)
    sqs = (sq0, sq1)
    sds = (sd0, sd1)

    def issue(p, c, j):
        pltpu.async_copy(p_hbm.at[sidx.at[pl.ds(j * BLK, BLK)]],
                         prows[p], sgs[p])
        pltpu.async_copy(dst_hbm.at[pl.ds(ebase + (c * CH + j) * BLK, BLK)],
                         dblks[p], sds[p])
        pltpu.async_copy(q_hbm.at[pl.ds(ebase + (c * CH + j) * BLK, BLK)],
                         qrows[p], sqs[p])

    pltpu.sync_copy(src_hbm.at[pl.ds(ebase, CH * BLK)], sidx)
    issue(0, 0, 0)

    @pl.when(sid < WB_TILES)
    def _zero():
        def zero_row(r, _):
            for k in range(DOUT // 16):
                prow1[r, pl.ds(k * 16, 16)] = jnp.zeros((16,), jnp.float32)
            return 0
        lax.fori_loop(0, BLK, zero_row, 0)
        for t in range(WB_ROWS // BLK):
            pltpu.sync_copy(prow1,
                            acc.at[pl.ds(sid * WB_ROWS + t * BLK, BLK)])
        rem = WB_ROWS % BLK
        if rem:
            pltpu.sync_copy(
                prow1.at[pl.ds(0, rem)],
                acc.at[pl.ds(sid * WB_ROWS + (WB_ROWS // BLK) * BLK, rem)])

    issue(1, 0, 1)
    plsc.subcore_barrier()

    def stage(p, c, j):
        pltpu.make_async_copy(p_hbm.at[sidx.at[pl.ds(j * BLK, BLK)]],
                              prows[p], sgs[p]).wait()
        pltpu.make_async_copy(q_hbm.at[pl.ds(ebase + (c * CH + j) * BLK, BLK)],
                              qrows[p], sqs[p]).wait()
        pltpu.make_async_copy(dst_hbm.at[pl.ds(ebase + (c * CH + j) * BLK,
                                               BLK)],
                              dblks[p], sds[p]).wait()

        def edge_body(e, _):
            for k in range(DOUT // 16):
                s = pl.ds(k * 16, 16)
                prows[p][e, s] = jnp.maximum(prows[p][e, s] + qrows[p][e, s],
                                             0.0)
            return 0
        lax.fori_loop(0, BLK, edge_body, 0)

        pltpu.sync_copy(prows[p], acc.at[dblks[p]], add=True)

        @pl.when(j + 2 < CH)
        def _prefetch():
            issue(p, c, j + 2)

    def chunk_body(c, _):
        @pl.when(c > 0)
        def _reload():
            pltpu.sync_copy(src_hbm.at[pl.ds(ebase + c * (CH * BLK),
                                             CH * BLK)], sidx)
            issue(0, c, 0)
            issue(1, c, 1)

        def pair_body(i, _):
            j = 2 * i
            stage(0, c, j)
            stage(1, c, j + 1)
            return 0
        lax.fori_loop(0, CH // 2, pair_body, 0)
        stage(0, c, CH - 1)
        return 0
    lax.fori_loop(0, NCHUNK, chunk_body, 0)

    plsc.subcore_barrier()

    @pl.when(sid < WB_TILES)
    def _writeback():
        pltpu.sync_copy(acc.at[pl.ds(sid * WB_ROWS, WB_ROWS)],
                        out_hbm.at[cid, pl.ds(sid * WB_ROWS, WB_ROWS)])


def _sc_aggregate(p, q, src, dst):
    mesh = plsc.VectorSubcoreMesh(core_axis_name="c", subcore_axis_name="s",
                                  num_cores=NC, num_subcores=NS)
    f = pl.kernel(
        _sc_body,
        out_type=jax.ShapeDtypeStruct((NC, N, DOUT), jnp.float32),
        mesh=mesh,
        scratch_types=[
            pltpu.VMEM((CH * BLK,), jnp.int32),
            pltpu.VMEM((BLK,), jnp.int32),
            pltpu.VMEM((BLK,), jnp.int32),
            pltpu.VMEM((BLK, DOUT), jnp.float32),
            pltpu.VMEM((BLK, DOUT), jnp.float32),
            pltpu.VMEM((BLK, DOUT), jnp.float32),
            pltpu.VMEM((BLK, DOUT), jnp.float32),
            pltpu.VMEM_SHARED((N, DOUT), jnp.float32),
            pltpu.SemaphoreType.DMA,
            pltpu.SemaphoreType.DMA,
            pltpu.SemaphoreType.DMA,
            pltpu.SemaphoreType.DMA,
            pltpu.SemaphoreType.DMA,
            pltpu.SemaphoreType.DMA,
        ],
    )
    return f(p, q, src, dst)


def kernel(nfeats, efeats, edge_index, W_msg_w, W_msg_b, W_apply_w, W_apply_b):
    src = edge_index[0]
    dst = edge_index[1]
    p = _tc_p(nfeats, W_msg_w[:DIN])
    q = _tc_q(efeats.T, W_msg_w[DIN:], W_msg_b)
    h = _sc_aggregate(p, q, src, dst)
    return _tc_apply(nfeats, h[0], h[1], W_apply_w[:DIN], W_apply_w[DIN:],
                     W_apply_b)

# --- scband reference (transcript-rebuilt; emitter-appended) ---
"""Pipeline reference for scband-gnnlayer-27633819583014 (READ-ONLY COPY).

The authoritative reference and input builder live on the scoring server;
editing this copy changes nothing except your own understanding.
"""

import jax, jax.numpy as jnp
import numpy as np

N_NODES = 10000
N_EDGES = 320000
NDIM_IN = 128
EDIMS = 16
NDIM_OUT = 128


def setup_inputs(seed: int = 0) -> dict:
    key = jax.random.key(seed)
    k1, k2, k3, k4, k5, k6, k7 = jax.random.split(key, 7)
    nfeats = jax.random.normal(k1, (N_NODES, NDIM_IN), dtype=jnp.float32)
    edge_index = jax.random.randint(k2, (2, N_EDGES), 0, N_NODES, dtype=jnp.int64 if jax.config.jax_enable_x64 else jnp.int32).astype(jnp.int32)
    efeats = jax.random.normal(k3, (N_EDGES, EDIMS), dtype=jnp.float32)
    # Parameters: W_msg: Linear(ndim_in + edims -> ndim_out), W_apply: Linear(ndim_in + ndim_out -> ndim_out)
    fan_msg = NDIM_IN + EDIMS
    fan_apply = NDIM_IN + NDIM_OUT
    W_msg_w = jax.random.uniform(k4, (fan_msg, NDIM_OUT), dtype=jnp.float32, minval=-1.0, maxval=1.0) / np.sqrt(fan_msg)
    W_msg_b = jax.random.uniform(k5, (NDIM_OUT,), dtype=jnp.float32, minval=-1.0, maxval=1.0) / np.sqrt(fan_msg)
    W_apply_w = jax.random.uniform(k6, (fan_apply, NDIM_OUT), dtype=jnp.float32, minval=-1.0, maxval=1.0) / np.sqrt(fan_apply)
    W_apply_b = jax.random.uniform(k7, (NDIM_OUT,), dtype=jnp.float32, minval=-1.0, maxval=1.0) / np.sqrt(fan_apply)
    return {
        "nfeats": nfeats,
        "efeats": efeats,
        "edge_index": edge_index,
        "W_msg_w": W_msg_w,
        "W_msg_b": W_msg_b,
        "W_apply_w": W_apply_w,
        "W_apply_b": W_apply_b,
    }


def reference(nfeats, efeats, edge_index, W_msg_w, W_msg_b, W_apply_w, W_apply_b):
    src = edge_index[0]
    dst = edge_index[1]
    # message: m = relu(W_msg(cat([h_src, e_feat], -1)))
    h_src = jnp.take(nfeats, src, axis=0)  # [E, ndim_in] gather
    msg_in = jnp.concatenate([h_src, efeats], axis=-1)  # [E, ndim_in + edims]
    m = jax.nn.relu(msg_in @ W_msg_w + W_msg_b)  # [E, ndim_out]
    # aggregate: h_neigh = sum over incoming edges (scatter-add by dst)
    h_neigh = jax.ops.segment_sum(m, dst, num_segments=nfeats.shape[0])  # [N, ndim_out]
    # apply: h = relu(W_apply(cat([h, h_neigh], -1)))
    apply_in = jnp.concatenate([nfeats, h_neigh], axis=-1)  # [N, ndim_in + ndim_out]
    out = jax.nn.relu(apply_in @ W_apply_w + W_apply_b)  # [N, ndim_out]
    return out

if __name__ == "__main__":
    import jax
    _d = setup_inputs()
    print(jax.jit(kernel)(*tuple(_d.values())))

</pallas_src>

<mosaic_0001>
#map = affine_map<(d0, d1) -> (0, 0)>
#map1 = affine_map<(d0, d1) -> (0)>
#map2 = affine_map<(d0, d1) -> (0, 0, 0)>
module attributes {stable_mosaic.version = 14 : i64} {
  func.func @_sc_body(%arg0: i32, %arg1: i32, %arg2: memref<10000x128xf32, #tpu.memory_space<hbm>>, %arg3: memref<320000x128xf32, #tpu.memory_space<hbm>>, %arg4: memref<320000xi32, #tpu.memory_space<hbm>>, %arg5: memref<320000xi32, #tpu.memory_space<hbm>>, %arg6: memref<2x10000x128xf32, #tpu.memory_space<hbm>>, %arg7: memref<2000xi32, #tpu.memory_space<vmem>>, %arg8: memref<80xi32, #tpu.memory_space<vmem>>, %arg9: memref<80xi32, #tpu.memory_space<vmem>>, %arg10: memref<80x128xf32, #tpu.memory_space<vmem>>, %arg11: memref<80x128xf32, #tpu.memory_space<vmem>>, %arg12: memref<80x128xf32, #tpu.memory_space<vmem>>, %arg13: memref<80x128xf32, #tpu.memory_space<vmem>>, %arg14: memref<10000x128xf32, #tpu.memory_space<vmem_shared>>, %arg15: memref<!tpu.dma_semaphore, #tpu.memory_space<semaphore_mem>>, %arg16: memref<!tpu.dma_semaphore, #tpu.memory_space<semaphore_mem>>, %arg17: memref<!tpu.dma_semaphore, #tpu.memory_space<semaphore_mem>>, %arg18: memref<!tpu.dma_semaphore, #tpu.memory_space<semaphore_mem>>, %arg19: memref<!tpu.dma_semaphore, #tpu.memory_space<semaphore_mem>>, %arg20: memref<!tpu.dma_semaphore, #tpu.memory_space<semaphore_mem>>) attributes {dimension_semantics = [#tpu.dimension_semantics<core_parallel>, #tpu.dimension_semantics<subcore_parallel>], iteration_bounds = array<i64: 2, 16>, scalar_prefetch = 0 : i64, scratch_operands = 14 : i64, tpu.core_type = #tpu.core_type<sc_vector_subcore>, window_params = [{transform_indices = #map}, {transform_indices = #map}, {transform_indices = #map1}, {transform_indices = #map1}, {transform_indices = #map2}]} {
    %mul3A = arith.constant 2 : i32
    %mul3A_0 = arith.muli %arg1, %mul3A : i32
    %add3A = arith.addi %mul3A_0, %arg0 : i32
    %mul3A_1 = arith.constant 10000 : i32
    %mul3A_2 = arith.muli %add3A, %mul3A_1 : i32
    "tpu.region"() ({
      %run_scoped3A = tpu.sem_alloc : memref<!tpu.dma_semaphore, #tpu.memory_space<semaphore_mem>>
      %dma_start3A_46 = tpu.memref_slice %arg4[%mul3A_2] : memref<320000xi32, #tpu.memory_space<hbm>> -> memref<2000xi32, #tpu.memory_space<hbm>>
      %dma_start3A_47 = tpu.memref_slice %arg4[%mul3A_2] : memref<320000xi32, #tpu.memory_space<hbm>> -> memref<2000xi32, #tpu.memory_space<hbm>>
      tpu.enqueue_dma source(%dma_start3A_47 : memref<2000xi32, #tpu.memory_space<hbm>>) target(%arg7 : memref<2000xi32, #tpu.memory_space<vmem>>) target_semaphore(%run_scoped3A : memref<!tpu.dma_semaphore, #tpu.memory_space<semaphore_mem>>)
      %dma_wait3A = tpu.memref_slice %arg4[%mul3A_2] : memref<320000xi32, #tpu.memory_space<hbm>> -> memref<2000xi32, #tpu.memory_space<hbm>>
      %dma_wait3A_48 = tpu.memref_slice %arg4[%mul3A_2] : memref<320000xi32, #tpu.memory_space<hbm>> -> memref<2000xi32, #tpu.memory_space<hbm>>
      tpu.wait_dma2 semaphore(%run_scoped3A : memref<!tpu.dma_semaphore, #tpu.memory_space<semaphore_mem>>) src(%dma_wait3A_48 : memref<2000xi32, #tpu.memory_space<hbm>>) dst(%arg7 : memref<2000xi32, #tpu.memory_space<vmem>>)
      tpu.yield
    }) : () -> ()
    %dma_start3A = arith.constant 0 : i32
    %dma_start3A_3 = tpu.memref_slice %arg7[%dma_start3A] : memref<2000xi32, #tpu.memory_space<vmem>> -> memref<80xi32, #tpu.memory_space<vmem>>
    %dma_start3A_4 = arith.constant 0 : i32
    %dma_start3A_5 = arith.constant 0 : i32
    %dma_start3A_6 = tpu.memref_slice %arg2[%dma_start3A_4, %dma_start3A_5] : memref<10000x128xf32, #tpu.memory_space<hbm>> -> memref<10000x128xf32, #tpu.memory_space<hbm>>
    tpu.enqueue_indirect_dma source(%dma_start3A_6 : memref<10000x128xf32, #tpu.memory_space<hbm>>) target(%arg10 : memref<80x128xf32, #tpu.memory_space<vmem>>) offsets(%dma_start3A_3 : memref<80xi32, #tpu.memory_space<vmem>>) semaphore(%arg15 : memref<!tpu.dma_semaphore, #tpu.memory_space<semaphore_mem>>)
    %add3A_7 = arith.constant 0 : i32
    %add3A_8 = arith.addi %mul3A_2, %add3A_7 : i32
    %dma_start3A_9 = tpu.memref_slice %arg5[%add3A_8] : memref<320000xi32, #tpu.memory_space<hbm>> -> memref<80xi32, #tpu.memory_space<hbm>>
    %dma_start3A_10 = tpu.memref_slice %arg5[%add3A_8] : memref<320000xi32, #tpu.memory_space<hbm>> -> memref<80xi32, #tpu.memory_space<hbm>>
    tpu.enqueue_dma source(%dma_start3A_10 : memref<80xi32, #tpu.memory_space<hbm>>) target(%arg8 : memref<80xi32, #tpu.memory_space<vmem>>) target_semaphore(%arg19 : memref<!tpu.dma_semaphore, #tpu.memory_space<semaphore_mem>>)
    %add3A_11 = arith.constant 0 : i32
    %add3A_12 = arith.addi %mul3A_2, %add3A_11 : i32
    %dma_start3A_13 = arith.constant 0 : i32
    %dma_start3A_14 = tpu.memref_slice %arg3[%add3A_12, %dma_start3A_13] : memref<320000x128xf32, #tpu.memory_space<hbm>> -> memref<80x128xf32, #tpu.memory_space<hbm>>
    %dma_start3A_15 = arith.constant 0 : i32
    %dma_start3A_16 = tpu.memref_slice %arg3[%add3A_12, %dma_start3A_15] : memref<320000x128xf32, #tpu.memory_space<hbm>> -> memref<80x128xf32, #tpu.memory_space<hbm>>
    tpu.enqueue_dma source(%dma_start3A_16 : memref<80x128xf32, #tpu.memory_space<hbm>>) target(%arg12 : memref<80x128xf32, #tpu.memory_space<vmem>>) target_semaphore(%arg17 : memref<!tpu.dma_semaphore, #tpu.memory_space<semaphore_mem>>)
    %lt3A = arith.constant 10 : i32
    %lt3A_17 = arith.cmpi slt, %arg1, %lt3A : i32
    %convert_element_type3A = arith.extui %lt3A_17 : i1 to i32
    %cond3A = arith.constant 0 : i32
    %cond3A_18 = arith.cmpi ne, %convert_element_type3A, %cond3A : i32
    scf.if %cond3A_18 {
      %scan3A_46 = arith.constant 0 : i32
      %scan3A_47 = arith.constant 0 : i32
      %scan3A_48 = arith.constant 80 : i32
      %scan3A_49 = arith.addi %scan3A_47, %scan3A_48 : i32
      %scan3A_50 = arith.constant 1 : i32
      %scan3A_51 = scf.for %scan3A_105 = %scan3A_47 to %scan3A_49 step %scan3A_50 iter_args(%scan3A_106 = %scan3A_46) -> (i32)  : i32 {
        %broadcast_in_dim3A = arith.constant 0.000000e+00 : f32
        %broadcast_in_dim3A_107 = vector.broadcast %broadcast_in_dim3A : f32 to vector<16xf32>
        %swap3A = arith.index_cast %scan3A_105 : i32 to index
        %swap3A_108 = arith.constant 0 : index
        %swap3A_109 = tpu.vector_load %arg11[%swap3A, %swap3A_108] {strides = array<i32>} : memref<80x128xf32, #tpu.memory_space<vmem>>, vector<1x16xf32>,
        %swap3A_110 = vector.shape_cast %swap3A_109 : vector<1x16xf32> to vector<16xf32>
        %swap3A_111 = vector.shape_cast %broadcast_in_dim3A_107 : vector<16xf32> to vector<1x16xf32>
        tpu.vector_store %arg11[%swap3A, %swap3A_108], %swap3A_111 {strides = array<i32>} : memref<80x128xf32, #tpu.memory_space<vmem>>, vector<1x16xf32>,
        %broadcast_in_dim3A_112 = arith.constant 0.000000e+00 : f32
        %broadcast_in_dim3A_113 = vector.broadcast %broadcast_in_dim3A_112 : f32 to vector<16xf32>
        %swap3A_114 = arith.index_cast %scan3A_105 : i32 to index
        %swap3A_115 = arith.constant 16 : index
        %swap3A_116 = tpu.vector_load %arg11[%swap3A_114, %swap3A_115] {strides = array<i32>} : memref<80x128xf32, #tpu.memory_space<vmem>>, vector<1x16xf32>,
        %swap3A_117 = vector.shape_cast %swap3A_116 : vector<1x16xf32> to vector<16xf32>
        %swap3A_118 = vector.shape_cast %broadcast_in_dim3A_113 : vector<16xf32> to vector<1x16xf32>
        tpu.vector_store %arg11[%swap3A_114, %swap3A_115], %swap3A_118 {strides = array<i32>} : memref<80x128xf32, #tpu.memory_space<vmem>>, vector<1x16xf32>,
        %broadcast_in_dim3A_119 = arith.constant 0.000000e+00 : f32
        %broadcast_in_dim3A_120 = vector.broadcast %broadcast_in_dim3A_119 : f32 to vector<16xf32>
        %swap3A_121 = arith.index_cast %scan3A_105 : i32 to index
        %swap3A_122 = arith.constant 32 : index
        %swap3A_123 = tpu.vector_load %arg11[%swap3A_121, %swap3A_122] {strides = array<i32>} : memref<80x128xf32, #tpu.memory_space<vmem>>, vector<1x16xf32>,
        %swap3A_124 = vector.shape_cast %swap3A_123 : vector<1x16xf32> to vector<16xf32>
        %swap3A_125 = vector.shape_cast %broadcast_in_dim3A_120 : vector<16xf32> to vector<1x16xf32>
        tpu.vector_store %arg11[%swap3A_121, %swap3A_122], %swap3A_125 {strides = array<i32>} : memref<80x128xf32, #tpu.memory_space<vmem>>, vector<1x16xf32>,
        %broadcast_in_dim3A_126 = arith.constant 0.000000e+00 : f32
        %broadcast_in_dim3A_127 = vector.broadcast %broadcast_in_dim3A_126 : f32 to vector<16xf32>
        %swap3A_128 = arith.index_cast %scan3A_105 : i32 to index
        %swap3A_129 = arith.constant 48 : index
        %swap3A_130 = tpu.vector_load %arg11[%swap3A_128, %swap3A_129] {strides = array<i32>} : memref<80x128xf32, #tpu.memory_space<vmem>>, vector<1x16xf32>,
        %swap3A_131 = vector.shape_cast %swap3A_130 : vector<1x16xf32> to vector<16xf32>
        %swap3A_132 = vector.shape_cast %broadcast_in_dim3A_127 : vector<16xf32> to vector<1x16xf32>
        tpu.vector_store %arg11[%swap3A_128, %swap3A_129], %swap3A_132 {strides = array<i32>} : memref<80x128xf32, #tpu.memory_space<vmem>>, vector<1x16xf32>,
        %broadcast_in_dim3A_133 = arith.constant 0.000000e+00 : f32
        %broadcast_in_dim3A_134 = vector.broadcast %broadcast_in_dim3A_133 : f32 to vector<16xf32>
        %swap3A_135 = arith.index_cast %scan3A_105 : i32 to index
        %swap3A_136 = arith.constant 64 : index
        %swap3A_137 = tpu.vector_load %arg11[%swap3A_135, %swap3A_136] {strides = array<i32>} : memref<80x128xf32, #tpu.memory_space<vmem>>, vector<1x16xf32>,
        %swap3A_138 = vector.shape_cast %swap3A_137 : vector<1x16xf32> to vector<16xf32>
        %swap3A_139 = vector.shape_cast %broadcast_in_dim3A_134 : vector<16xf32> to vector<1x16xf32>
        tpu.vector_store %arg11[%swap3A_135, %swap3A_136], %swap3A_139 {strides = array<i32>} : memref<80x128xf32, #tpu.memory_space<vmem>>, vector<1x16xf32>,
        %broadcast_in_dim3A_140 = arith.constant 0.000000e+00 : f32
        %broadcast_in_dim3A_141 = vector.broadcast %broadcast_in_dim3A_140 : f32 to vector<16xf32>
        %swap3A_142 = arith.index_cast %scan3A_105 : i32 to index
        %swap3A_143 = arith.constant 80 : index
        %swap3A_144 = tpu.vector_load %arg11[%swap3A_142, %swap3A_143] {strides = array<i32>} : memref<80x128xf32, #tpu.memory_space<vmem>>, vector<1x16xf32>,
        %swap3A_145 = vector.shape_cast %swap3A_144 : vector<1x16xf32> to vector<16xf32>
        %swap3A_146 = vector.shape_cast %broadcast_in_dim3A_141 : vector<16xf32> to vector<1x16xf32>
        tpu.vector_store %arg11[%swap3A_142, %swap3A_143], %swap3A_146 {strides = array<i32>} : memref<80x128xf32, #tpu.memory_space<vmem>>, vector<1x16xf32>,
        %broadcast_in_dim3A_147 = arith.constant 0.000000e+00 : f32
        %broadcast_in_dim3A_148 = vector.broadcast %broadcast_in_dim3A_147 : f32 to vector<16xf32>
        %swap3A_149 = arith.index_cast %scan3A_105 : i32 to index
        %swap3A_150 = arith.constant 96 : index
        %swap3A_151 = tpu.vector_load %arg11[%swap3A_149, %swap3A_150] {strides = array<i32>} : memref<80x128xf32, #tpu.memory_space<vmem>>, vector<1x16xf32>,
        %swap3A_152 = vector.shape_cast %swap3A_151 : vector<1x16xf32> to vector<16xf32>
        %swap3A_153 = vector.shape_cast %broadcast_in_dim3A_148 : vector<16xf32> to vector<1x16xf32>
        tpu.vector_store %arg11[%swap3A_149, %swap3A_150], %swap3A_153 {strides = array<i32>} : memref<80x128xf32, #tpu.memory_space<vmem>>, vector<1x16xf32>,
        %broadcast_in_dim3A_154 = arith.constant 0.000000e+00 : f32
        %broadcast_in_dim3A_155 = vector.broadcast %broadcast_in_dim3A_154 : f32 to vector<16xf32>
        %swap3A_156 = arith.index_cast %scan3A_105 : i32 to index
        %swap3A_157 = arith.constant 112 : index
        %swap3A_158 = tpu.vector_load %arg11[%swap3A_156, %swap3A_157] {strides = array<i32>} : memref<80x128xf32, #tpu.memory_space<vmem>>, vector<1x16xf32>,
        %swap3A_159 = vector.shape_cast %swap3A_158 : vector<1x16xf32> to vector<16xf32>
        %swap3A_160 = vector.shape_cast %broadcast_in_dim3A_155 : vector<16xf32> to vector<1x16xf32>
        tpu.vector_store %arg11[%swap3A_156, %swap3A_157], %swap3A_160 {strides = array<i32>} : memref<80x128xf32, #tpu.memory_space<vmem>>, vector<1x16xf32>,
        %scan3A_161 = arith.constant 0 : i32
        scf.yield %scan3A_161 : i32
      }
      %scan3A_52 = arith.constant 80 : i32
      %mul3A_53 = arith.constant 1000 : i32
      %mul3A_54 = arith.muli %arg1, %mul3A_53 : i32
      %add3A_55 = arith.constant 0 : i32
      %add3A_56 = arith.addi %mul3A_54, %add3A_55 : i32
      "tpu.region"() ({
        %run_scoped3A = tpu.sem_alloc : memref<!tpu.dma_semaphore, #tpu.memory_space<semaphore_mem>>
        %dma_start3A_105 = arith.constant 0 : i32
        %dma_start3A_106 = tpu.memref_slice %arg14[%add3A_56, %dma_start3A_105] : memref<10000x128xf32, #tpu.memory_space<vmem_shared>> -> memref<80x128xf32, #tpu.memory_space<vmem_shared>>
        %dma_start3A_107 = arith.constant 0 : i32
        %dma_start3A_108 = tpu.memref_slice %arg14[%add3A_56, %dma_start3A_107] : memref<10000x128xf32, #tpu.memory_space<vmem_shared>> -> memref<80x128xf32, #tpu.memory_space<vmem_shared>>
        tpu.enqueue_dma source(%arg11 : memref<80x128xf32, #tpu.memory_space<vmem>>) target(%dma_start3A_108 : memref<80x128xf32, #tpu.memory_space<vmem_shared>>) target_semaphore(%run_scoped3A : memref<!tpu.dma_semaphore, #tpu.memory_space<semaphore_mem>>)
        %dma_wait3A = arith.constant 0 : i32
        %dma_wait3A_109 = tpu.memref_slice %arg14[%add3A_56, %dma_wait3A] : memref<10000x128xf32, #tpu.memory_space<vmem_shared>> -> memref<80x128xf32, #tpu.memory_space<vmem_shared>>
        %dma_wait3A_110 = arith.constant 0 : i32
        %dma_wait3A_111 = tpu.memref_slice %arg14[%add3A_56, %dma_wait3A_110] : memref<10000x128xf32, #tpu.memory_space<vmem_shared>> -> memref<80x128xf32, #tpu.memory_space<vmem_shared>>
        tpu.wait_dma2 semaphore(%run_scoped3A : memref<!tpu.dma_semaphore, #tpu.memory_space<semaphore_mem>>) src(%arg11 : memref<80x128xf32, #tpu.memory_space<vmem>>) dst(%dma_wait3A_111 : memref<80x128xf32, #tpu.memory_space<vmem_shared>>)
        tpu.yield
      }) : () -> ()
      %mul3A_57 = arith.constant 1000 : i32
      %mul3A_58 = arith.muli %arg1, %mul3A_57 : i32
      %add3A_59 = arith.constant 80 : i32
      %add3A_60 = arith.addi %mul3A_58, %add3A_59 : i32
      "tpu.region"() ({
        %run_scoped3A = tpu.sem_alloc : memref<!tpu.dma_semaphore, #tpu.memory_space<semaphore_mem>>
        %dma_start3A_105 = arith.constant 0 : i32
        %dma_start3A_106 = tpu.memref_slice %arg14[%add3A_60, %dma_start3A_105] : memref<10000x128xf32, #tpu.memory_space<vmem_shared>> -> memref<80x128xf32, #tpu.memory_space<vmem_shared>>
        %dma_start3A_107 = arith.constant 0 : i32
        %dma_start3A_108 = tpu.memref_slice %arg14[%add3A_60, %dma_start3A_107] : memref<10000x128xf32, #tpu.memory_space<vmem_shared>> -> memref<80x128xf32, #tpu.memory_space<vmem_shared>>
        tpu.enqueue_dma source(%arg11 : memref<80x128xf32, #tpu.memory_space<vmem>>) target(%dma_start3A_108 : memref<80x128xf32, #tpu.memory_space<vmem_shared>>) target_semaphore(%run_scoped3A : memref<!tpu.dma_semaphore, #tpu.memory_space<semaphore_mem>>)
        %dma_wait3A = arith.constant 0 : i32
        %dma_wait3A_109 = tpu.memref_slice %arg14[%add3A_60, %dma_wait3A] : memref<10000x128xf32, #tpu.memory_space<vmem_shared>> -> memref<80x128xf32, #tpu.memory_space<vmem_shared>>
        %dma_wait3A_110 = arith.constant 0 : i32
        %dma_wait3A_111 = tpu.memref_slice %arg14[%add3A_60, %dma_wait3A_110] : memref<10000x128xf32, #tpu.memory_space<vmem_shared>> -> memref<80x128xf32, #tpu.memory_space<vmem_shared>>
        tpu.wait_dma2 semaphore(%run_scoped3A : memref<!tpu.dma_semaphore, #tpu.memory_space<semaphore_mem>>) src(%arg11 : memref<80x128xf32, #tpu.memory_space<vmem>>) dst(%dma_wait3A_111 : memref<80x128xf32, #tpu.memory_space<vmem_shared>>)
        tpu.yield
      }) : () -> ()
      %mul3A_61 = arith.constant 1000 : i32
      %mul3A_62 = arith.muli %arg1, %mul3A_61 : i32
      %add3A_63 = arith.constant 160 : i32
      %add3A_64 = arith.addi %mul3A_62, %add3A_63 : i32
      "tpu.region"() ({
        %run_scoped3A = tpu.sem_alloc : memref<!tpu.dma_semaphore, #tpu.memory_space<semaphore_mem>>
        %dma_start3A_105 = arith.constant 0 : i32
        %dma_start3A_106 = tpu.memref_slice %arg14[%add3A_64, %dma_start3A_105] : memref<10000x128xf32, #tpu.memory_space<vmem_shared>> -> memref<80x128xf32, #tpu.memory_space<vmem_shared>>
        %dma_start3A_107 = arith.constant 0 : i32
        %dma_start3A_108 = tpu.memref_slice %arg14[%add3A_64, %dma_start3A_107] : memref<10000x128xf32, #tpu.memory_space<vmem_shared>> -> memref<80x128xf32, #tpu.memory_space<vmem_shared>>
        tpu.enqueue_dma source(%arg11 : memref<80x128xf32, #tpu.memory_space<vmem>>) target(%dma_start3A_108 : memref<80x128xf32, #tpu.memory_space<vmem_shared>>) target_semaphore(%run_scoped3A : memref<!tpu.dma_semaphore, #tpu.memory_space<semaphore_mem>>)
        %dma_wait3A = arith.constant 0 : i32
        %dma_wait3A_109 = tpu.memref_slice %arg14[%add3A_64, %dma_wait3A] : memref<10000x128xf32, #tpu.memory_space<vmem_shared>> -> memref<80x128xf32, #tpu.memory_space<vmem_shared>>
        %dma_wait3A_110 = arith.constant 0 : i32
        %dma_wait3A_111 = tpu.memref_slice %arg14[%add3A_64, %dma_wait3A_110] : memref<10000x128xf32, #tpu.memory_space<vmem_shared>> -> memref<80x128xf32, #tpu.memory_space<vmem_shared>>
        tpu.wait_dma2 semaphore(%run_scoped3A : memref<!tpu.dma_semaphore, #tpu.memory_space<semaphore_mem>>) src(%arg11 : memref<80x128xf32, #tpu.memory_space<vmem>>) dst(%dma_wait3A_111 : memref<80x128xf32, #tpu.memory_space<vmem_shared>>)
        tpu.yield
      }) : () -> ()
      %mul3A_65 = arith.constant 1000 : i32
      %mul3A_66 = arith.muli %arg1, %mul3A_65 : i32
      %add3A_67 = arith.constant 240 : i32
      %add3A_68 = arith.addi %mul3A_66, %add3A_67 : i32
      "tpu.region"() ({
        %run_scoped3A = tpu.sem_alloc : memref<!tpu.dma_semaphore, #tpu.memory_space<semaphore_mem>>
        %dma_start3A_105 = arith.constant 0 : i32
        %dma_start3A_106 = tpu.memref_slice %arg14[%add3A_68, %dma_start3A_105] : memref<10000x128xf32, #tpu.memory_space<vmem_shared>> -> memref<80x128xf32, #tpu.memory_space<vmem_shared>>
        %dma_start3A_107 = arith.constant 0 : i32
        %dma_start3A_108 = tpu.memref_slice %arg14[%add3A_68, %dma_start3A_107] : memref<10000x128xf32, #tpu.memory_space<vmem_shared>> -> memref<80x128xf32, #tpu.memory_space<vmem_shared>>
        tpu.enqueue_dma source(%arg11 : memref<80x128xf32, #tpu.memory_space<vmem>>) target(%dma_start3A_108 : memref<80x128xf32, #tpu.memory_space<vmem_shared>>) target_semaphore(%run_scoped3A : memref<!tpu.dma_semaphore, #tpu.memory_space<semaphore_mem>>)
        %dma_wait3A = arith.constant 0 : i32
        %dma_wait3A_109 = tpu.memref_slice %arg14[%add3A_68, %dma_wait3A] : memref<10000x128xf32, #tpu.memory_space<vmem_shared>> -> memref<80x128xf32, #tpu.memory_space<vmem_shared>>
        %dma_wait3A_110 = arith.constant 0 : i32
        %dma_wait3A_111 = tpu.memref_slice %arg14[%add3A_68, %dma_wait3A_110] : memref<10000x128xf32, #tpu.memory_space<vmem_shared>> -> memref<80x128xf32, #tpu.memory_space<vmem_shared>>
        tpu.wait_dma2 semaphore(%run_scoped3A : memref<!tpu.dma_semaphore, #tpu.memory_space<semaphore_mem>>) src(%arg11 : memref<80x128xf32, #tpu.memory_space<vmem>>) dst(%dma_wait3A_111 : memref<80x128xf32, #tpu.memory_space<vmem_shared>>)
        tpu.yield
      }) : () -> ()
      %mul3A_69 = arith.constant 1000 : i32
      %mul3A_70 = arith.muli %arg1, %mul3A_69 : i32
      %add3A_71 = arith.constant 320 : i32
      %add3A_72 = arith.addi %mul3A_70, %add3A_71 : i32
      "tpu.region"() ({
        %run_scoped3A = tpu.sem_alloc : memref<!tpu.dma_semaphore, #tpu.memory_space<semaphore_mem>>
        %dma_start3A_105 = arith.constant 0 : i32
        %dma_start3A_106 = tpu.memref_slice %arg14[%add3A_72, %dma_start3A_105] : memref<10000x128xf32, #tpu.memory_space<vmem_shared>> -> memref<80x128xf32, #tpu.memory_space<vmem_shared>>
        %dma_start3A_107 = arith.constant 0 : i32
        %dma_start3A_108 = tpu.memref_slice %arg14[%add3A_72, %dma_start3A_107] : memref<10000x128xf32, #tpu.memory_space<vmem_shared>> -> memref<80x128xf32, #tpu.memory_space<vmem_shared>>
        tpu.enqueue_dma source(%arg11 : memref<80x128xf32, #tpu.memory_space<vmem>>) target(%dma_start3A_108 : memref<80x128xf32, #tpu.memory_space<vmem_shared>>) target_semaphore(%run_scoped3A : memref<!tpu.dma_semaphore, #tpu.memory_space<semaphore_mem>>)
        %dma_wait3A = arith.constant 0 : i32
        %dma_wait3A_109 = tpu.memref_slice %arg14[%add3A_72, %dma_wait3A] : memref<10000x128xf32, #tpu.memory_space<vmem_shared>> -> memref<80x128xf32, #tpu.memory_space<vmem_shared>>
        %dma_wait3A_110 = arith.constant 0 : i32
        %dma_wait3A_111 = tpu.memref_slice %arg14[%add3A_72, %dma_wait3A_110] : memref<10000x128xf32, #tpu.memory_space<vmem_shared>> -> memref<80x128xf32, #tpu.memory_space<vmem_shared>>
        tpu.wait_dma2 semaphore(%run_scoped3A : memref<!tpu.dma_semaphore, #tpu.memory_space<semaphore_mem>>) src(%arg11 : memref<80x128xf32, #tpu.memory_space<vmem>>) dst(%dma_wait3A_111 : memref<80x128xf32, #tpu.memory_space<vmem_shared>>)
        tpu.yield
      }) : () -> ()
      %mul3A_73 = arith.constant 1000 : i32
      %mul3A_74 = arith.muli %arg1, %mul3A_73 : i32
      %add3A_75 = arith.constant 400 : i32
      %add3A_76 = arith.addi %mul3A_74, %add3A_75 : i32
      "tpu.region"() ({
        %run_scoped3A = tpu.sem_alloc : memref<!tpu.dma_semaphore, #tpu.memory_space<semaphore_mem>>
        %dma_start3A_105 = arith.constant 0 : i32
        %dma_start3A_106 = tpu.memref_slice %arg14[%add3A_76, %dma_start3A_105] : memref<10000x128xf32, #tpu.memory_space<vmem_shared>> -> memref<80x128xf32, #tpu.memory_space<vmem_shared>>
        %dma_start3A_107 = arith.constant 0 : i32
        %dma_start3A_108 = tpu.memref_slice %arg14[%add3A_76, %dma_start3A_107] : memref<10000x128xf32, #tpu.memory_space<vmem_shared>> -> memref<80x128xf32, #tpu.memory_space<vmem_shared>>
        tpu.enqueue_dma source(%arg11 : memref<80x128xf32, #tpu.memory_space<vmem>>) target(%dma_start3A_108 : memref<80x128xf32, #tpu.memory_space<vmem_shared>>) target_semaphore(%run_scoped3A : memref<!tpu.dma_semaphore, #tpu.memory_space<semaphore_mem>>)
        %dma_wait3A = arith.constant 0 : i32
        %dma_wait3A_109 = tpu.memref_slice %arg14[%add3A_76, %dma_wait3A] : memref<10000x128xf32, #tpu.memory_space<vmem_shared>> -> memref<80x128xf32, #tpu.memory_space<vmem_shared>>
        %dma_wait3A_110 = arith.constant 0 : i32
        %dma_wait3A_111 = tpu.memref_slice %arg14[%add3A_76, %dma_wait3A_110] : memref<10000x128xf32, #tpu.memory_space<vmem_shared>> -> memref<80x128xf32, #tpu.memory_space<vmem_shared>>
        tpu.wait_dma2 semaphore(%run_scoped3A : memref<!tpu.dma_semaphore, #tpu.memory_space<semaphore_mem>>) src(%arg11 : memref<80x128xf32, #tpu.memory_space<vmem>>) dst(%dma_wait3A_111 : memref<80x128xf32, #tpu.memory_space<vmem_shared>>)
        tpu.yield
      }) : () -> ()
      %mul3A_77 = arith.constant 1000 : i32
      %mul3A_78 = arith.muli %arg1, %mul3A_77 : i32
      %add3A_79 = arith.constant 480 : i32
      %add3A_80 = arith.addi %mul3A_78, %add3A_79 : i32
      "tpu.region"() ({
        %run_scoped3A = tpu.sem_alloc : memref<!tpu.dma_semaphore, #tpu.memory_space<semaphore_mem>>
        %dma_start3A_105 = arith.constant 0 : i32
        %dma_start3A_106 = tpu.memref_slice %arg14[%add3A_80, %dma_start3A_105] : memref<10000x128xf32, #tpu.memory_space<vmem_shared>> -> memref<80x128xf32, #tpu.memory_space<vmem_shared>>
        %dma_start3A_107 = arith.constant 0 : i32
        %dma_start3A_108 = tpu.memref_slice %arg14[%add3A_80, %dma_start3A_107] : memref<10000x128xf32, #tpu.memory_space<vmem_shared>> -> memref<80x128xf32, #tpu.memory_space<vmem_shared>>
        tpu.enqueue_dma source(%arg11 : memref<80x128xf32, #tpu.memory_space<vmem>>) target(%dma_start3A_108 : memref<80x128xf32, #tpu.memory_space<vmem_shared>>) target_semaphore(%run_scoped3A : memref<!tpu.dma_semaphore, #tpu.memory_space<semaphore_mem>>)
        %dma_wait3A = arith.constant 0 : i32
        %dma_wait3A_109 = tpu.memref_slice %arg14[%add3A_80, %dma_wait3A] : memref<10000x128xf32, #tpu.memory_space<vmem_shared>> -> memref<80x128xf32, #tpu.memory_space<vmem_shared>>
        %dma_wait3A_110 = arith.constant 0 : i32
        %dma_wait3A_111 = tpu.memref_slice %arg14[%add3A_80, %dma_wait3A_110] : memref<10000x128xf32, #tpu.memory_space<vmem_shared>> -> memref<80x128xf32, #tpu.memory_space<vmem_shared>>
        tpu.wait_dma2 semaphore(%run_scoped3A : memref<!tpu.dma_semaphore, #tpu.memory_space<semaphore_mem>>) src(%arg11 : memref<80x128xf32, #tpu.memory_space<vmem>>) dst(%dma_wait3A_111 : memref<80x128xf32, #tpu.memory_space<vmem_shared>>)
        tpu.yield
      }) : () -> ()
      %mul3A_81 = arith.constant 1000 : i32
      %mul3A_82 = arith.muli %arg1, %mul3A_81 : i32
      %add3A_83 = arith.constant 560 : i32
      %add3A_84 = arith.addi %mul3A_82, %add3A_83 : i32
      "tpu.region"() ({
        %run_scoped3A = tpu.sem_alloc : memref<!tpu.dma_semaphore, #tpu.memory_space<semaphore_mem>>
        %dma_start3A_105 = arith.constant 0 : i32
        %dma_start3A_106 = tpu.memref_slice %arg14[%add3A_84, %dma_start3A_105] : memref<10000x128xf32, #tpu.memory_space<vmem_shared>> -> memref<80x128xf32, #tpu.memory_space<vmem_shared>>
        %dma_start3A_107 = arith.constant 0 : i32
        %dma_start3A_108 = tpu.memref_slice %arg14[%add3A_84, %dma_start3A_107] : memref<10000x128xf32, #tpu.memory_space<vmem_shared>> -> memref<80x128xf32, #tpu.memory_space<vmem_shared>>
        tpu.enqueue_dma source(%arg11 : memref<80x128xf32, #tpu.memory_space<vmem>>) target(%dma_start3A_108 : memref<80x128xf32, #tpu.memory_space<vmem_shared>>) target_semaphore(%run_scoped3A : memref<!tpu.dma_semaphore, #tpu.memory_space<semaphore_mem>>)
        %dma_wait3A = arith.constant 0 : i32
        %dma_wait3A_109 = tpu.memref_slice %arg14[%add3A_84, %dma_wait3A] : memref<10000x128xf32, #tpu.memory_space<vmem_shared>> -> memref<80x128xf32, #tpu.memory_space<vmem_shared>>
        %dma_wait3A_110 = arith.constant 0 : i32
        %dma_wait3A_111 = tpu.memref_slice %arg14[%add3A_84, %dma_wait3A_110] : memref<10000x128xf32, #tpu.memory_space<vmem_shared>> -> memref<80x128xf32, #tpu.memory_space<vmem_shared>>
        tpu.wait_dma2 semaphore(%run_scoped3A : memref<!tpu.dma_semaphore, #tpu.memory_space<semaphore_mem>>) src(%arg11 : memref<80x128xf32, #tpu.memory_space<vmem>>) dst(%dma_wait3A_111 : memref<80x128xf32, #tpu.memory_space<vmem_shared>>)
        tpu.yield
      }) : () -> ()
      %mul3A_85 = arith.constant 1000 : i32
      %mul3A_86 = arith.muli %arg1, %mul3A_85 : i32
      %add3A_87 = arith.constant 640 : i32
      %add3A_88 = arith.addi %mul3A_86, %add3A_87 : i32
      "tpu.region"() ({
        %run_scoped3A = tpu.sem_alloc : memref<!tpu.dma_semaphore, #tpu.memory_space<semaphore_mem>>
        %dma_start3A_105 = arith.constant 0 : i32
        %dma_start3A_106 = tpu.memref_slice %arg14[%add3A_88, %dma_start3A_105] : memref<10000x128xf32, #tpu.memory_space<vmem_shared>> -> memref<80x128xf32, #tpu.memory_space<vmem_shared>>
        %dma_start3A_107 = arith.constant 0 : i32
        %dma_start3A_108 = tpu.memref_slice %arg14[%add3A_88, %dma_start3A_107] : memref<10000x128xf32, #tpu.memory_space<vmem_shared>> -> memref<80x128xf32, #tpu.memory_space<vmem_shared>>
        tpu.enqueue_dma source(%arg11 : memref<80x128xf32, #tpu.memory_space<vmem>>) target(%dma_start3A_108 : memref<80x128xf32, #tpu.memory_space<vmem_shared>>) target_semaphore(%run_scoped3A : memref<!tpu.dma_semaphore, #tpu.memory_space<semaphore_mem>>)
        %dma_wait3A = arith.constant 0 : i32
        %dma_wait3A_109 = tpu.memref_slice %arg14[%add3A_88, %dma_wait3A] : memref<10000x128xf32, #tpu.memory_space<vmem_shared>> -> memref<80x128xf32, #tpu.memory_space<vmem_shared>>
        %dma_wait3A_110 = arith.constant 0 : i32
        %dma_wait3A_111 = tpu.memref_slice %arg14[%add3A_88, %dma_wait3A_110] : memref<10000x128xf32, #tpu.memory_space<vmem_shared>> -> memref<80x128xf32, #tpu.memory_space<vmem_shared>>
        tpu.wait_dma2 semaphore(%run_scoped3A : memref<!tpu.dma_semaphore, #tpu.memory_space<semaphore_mem>>) src(%arg11 : memref<80x128xf32, #tpu.memory_space<vmem>>) dst(%dma_wait3A_111 : memref<80x128xf32, #tpu.memory_space<vmem_shared>>)
        tpu.yield
      }) : () -> ()
      %mul3A_89 = arith.constant 1000 : i32
      %mul3A_90 = arith.muli %arg1, %mul3A_89 : i32
      %add3A_91 = arith.constant 720 : i32
      %add3A_92 = arith.addi %mul3A_90, %add3A_91 : i32
      "tpu.region"() ({
        %run_scoped3A = tpu.sem_alloc : memref<!tpu.dma_semaphore, #tpu.memory_space<semaphore_mem>>
        %dma_start3A_105 = arith.constant 0 : i32
        %dma_start3A_106 = tpu.memref_slice %arg14[%add3A_92, %dma_start3A_105] : memref<10000x128xf32, #tpu.memory_space<vmem_shared>> -> memref<80x128xf32, #tpu.memory_space<vmem_shared>>
        %dma_start3A_107 = arith.constant 0 : i32
        %dma_start3A_108 = tpu.memref_slice %arg14[%add3A_92, %dma_start3A_107] : memref<10000x128xf32, #tpu.memory_space<vmem_shared>> -> memref<80x128xf32, #tpu.memory_space<vmem_shared>>
        tpu.enqueue_dma source(%arg11 : memref<80x128xf32, #tpu.memory_space<vmem>>) target(%dma_start3A_108 : memref<80x128xf32, #tpu.memory_space<vmem_shared>>) target_semaphore(%run_scoped3A : memref<!tpu.dma_semaphore, #tpu.memory_space<semaphore_mem>>)
        %dma_wait3A = arith.constant 0 : i32
        %dma_wait3A_109 = tpu.memref_slice %arg14[%add3A_92, %dma_wait3A] : memref<10000x128xf32, #tpu.memory_space<vmem_shared>> -> memref<80x128xf32, #tpu.memory_space<vmem_shared>>
        %dma_wait3A_110 = arith.constant 0 : i32
        %dma_wait3A_111 = tpu.memref_slice %arg14[%add3A_92, %dma_wait3A_110] : memref<10000x128xf32, #tpu.memory_space<vmem_shared>> -> memref<80x128xf32, #tpu.memory_space<vmem_shared>>
        tpu.wait_dma2 semaphore(%run_scoped3A : memref<!tpu.dma_semaphore, #tpu.memory_space<semaphore_mem>>) src(%arg11 : memref<80x128xf32, #tpu.memory_space<vmem>>) dst(%dma_wait3A_111 : memref<80x128xf32, #tpu.memory_space<vmem_shared>>)
        tpu.yield
      }) : () -> ()
      %mul3A_93 = arith.constant 1000 : i32
      %mul3A_94 = arith.muli %arg1, %mul3A_93 : i32
      %add3A_95 = arith.constant 800 : i32
      %add3A_96 = arith.addi %mul3A_94, %add3A_95 : i32
      "tpu.region"() ({
        %run_scoped3A = tpu.sem_alloc : memref<!tpu.dma_semaphore, #tpu.memory_space<semaphore_mem>>
        %dma_start3A_105 = arith.constant 0 : i32
        %dma_start3A_106 = tpu.memref_slice %arg14[%add3A_96, %dma_start3A_105] : memref<10000x128xf32, #tpu.memory_space<vmem_shared>> -> memref<80x128xf32, #tpu.memory_space<vmem_shared>>
        %dma_start3A_107 = arith.constant 0 : i32
        %dma_start3A_108 = tpu.memref_slice %arg14[%add3A_96, %dma_start3A_107] : memref<10000x128xf32, #tpu.memory_space<vmem_shared>> -> memref<80x128xf32, #tpu.memory_space<vmem_shared>>
        tpu.enqueue_dma source(%arg11 : memref<80x128xf32, #tpu.memory_space<vmem>>) target(%dma_start3A_108 : memref<80x128xf32, #tpu.memory_space<vmem_shared>>) target_semaphore(%run_scoped3A : memref<!tpu.dma_semaphore, #tpu.memory_space<semaphore_mem>>)
        %dma_wait3A = arith.constant 0 : i32
        %dma_wait3A_109 = tpu.memref_slice %arg14[%add3A_96, %dma_wait3A] : memref<10000x128xf32, #tpu.memory_space<vmem_shared>> -> memref<80x128xf32, #tpu.memory_space<vmem_shared>>
        %dma_wait3A_110 = arith.constant 0 : i32
        %dma_wait3A_111 = tpu.memref_slice %arg14[%add3A_96, %dma_wait3A_110] : memref<10000x128xf32, #tpu.memory_space<vmem_shared>> -> memref<80x128xf32, #tpu.memory_space<vmem_shared>>
        tpu.wait_dma2 semaphore(%run_scoped3A : memref<!tpu.dma_semaphore, #tpu.memory_space<semaphore_mem>>) src(%arg11 : memref<80x128xf32, #tpu.memory_space<vmem>>) dst(%dma_wait3A_111 : memref<80x128xf32, #tpu.memory_space<vmem_shared>>)
        tpu.yield
      }) : () -> ()
      %mul3A_97 = arith.constant 1000 : i32
      %mul3A_98 = arith.muli %arg1, %mul3A_97 : i32
      %add3A_99 = arith.constant 880 : i32
      %add3A_100 = arith.addi %mul3A_98, %add3A_99 : i32
      "tpu.region"() ({
        %run_scoped3A = tpu.sem_alloc : memref<!tpu.dma_semaphore, #tpu.memory_space<semaphore_mem>>
        %dma_start3A_105 = arith.constant 0 : i32
        %dma_start3A_106 = tpu.memref_slice %arg14[%add3A_100, %dma_start3A_105] : memref<10000x128xf32, #tpu.memory_space<vmem_shared>> -> memref<80x128xf32, #tpu.memory_space<vmem_shared>>
        %dma_start3A_107 = arith.constant 0 : i32
        %dma_start3A_108 = tpu.memref_slice %arg14[%add3A_100, %dma_start3A_107] : memref<10000x128xf32, #tpu.memory_space<vmem_shared>> -> memref<80x128xf32, #tpu.memory_space<vmem_shared>>
        tpu.enqueue_dma source(%arg11 : memref<80x128xf32, #tpu.memory_space<vmem>>) target(%dma_start3A_108 : memref<80x128xf32, #tpu.memory_space<vmem_shared>>) target_semaphore(%run_scoped3A : memref<!tpu.dma_semaphore, #tpu.memory_space<semaphore_mem>>)
        %dma_wait3A = arith.constant 0 : i32
        %dma_wait3A_109 = tpu.memref_slice %arg14[%add3A_100, %dma_wait3A] : memref<10000x128xf32, #tpu.memory_space<vmem_shared>> -> memref<80x128xf32, #tpu.memory_space<vmem_shared>>
        %dma_wait3A_110 = arith.constant 0 : i32
        %dma_wait3A_111 = tpu.memref_slice %arg14[%add3A_100, %dma_wait3A_110] : memref<10000x128xf32, #tpu.memory_space<vmem_shared>> -> memref<80x128xf32, #tpu.memory_space<vmem_shared>>
        tpu.wait_dma2 semaphore(%run_scoped3A : memref<!tpu.dma_semaphore, #tpu.memory_space<semaphore_mem>>) src(%arg11 : memref<80x128xf32, #tpu.memory_space<vmem>>) dst(%dma_wait3A_111 : memref<80x128xf32, #tpu.memory_space<vmem_shared>>)
        tpu.yield
      }) : () -> ()
      %mul3A_101 = arith.constant 1000 : i32
      %mul3A_102 = arith.muli %arg1, %mul3A_101 : i32
      %add3A_103 = arith.constant 960 : i32
      %add3A_104 = arith.addi %mul3A_102, %add3A_103 : i32
      "tpu.region"() ({
        %run_scoped3A = tpu.sem_alloc : memref<!tpu.dma_semaphore, #tpu.memory_space<semaphore_mem>>
        %dma_start3A_105 = arith.constant 0 : i32
        %dma_start3A_106 = arith.constant 0 : i32
        %dma_start3A_107 = tpu.memref_slice %arg11[%dma_start3A_105, %dma_start3A_106] : memref<80x128xf32, #tpu.memory_space<vmem>> -> memref<40x128xf32, #tpu.memory_space<vmem>>
        %dma_start3A_108 = arith.constant 0 : i32
        %dma_start3A_109 = tpu.memref_slice %arg14[%add3A_104, %dma_start3A_108] : memref<10000x128xf32, #tpu.memory_space<vmem_shared>> -> memref<40x128xf32, #tpu.memory_space<vmem_shared>>
        %dma_start3A_110 = arith.constant 0 : i32
        %dma_start3A_111 = tpu.memref_slice %arg14[%add3A_104, %dma_start3A_110] : memref<10000x128xf32, #tpu.memory_space<vmem_shared>> -> memref<40x128xf32, #tpu.memory_space<vmem_shared>>
        %dma_start3A_112 = arith.constant 0 : i32
        %dma_start3A_113 = arith.constant 0 : i32
        %dma_start3A_114 = tpu.memref_slice %arg11[%dma_start3A_112, %dma_start3A_113] : memref<80x128xf32, #tpu.memory_space<vmem>> -> memref<40x128xf32, #tpu.memory_space<vmem>>
        tpu.enqueue_dma source(%dma_start3A_114 : memref<40x128xf32, #tpu.memory_space<vmem>>) target(%dma_start3A_111 : memref<40x128xf32, #tpu.memory_space<vmem_shared>>) target_semaphore(%run_scoped3A : memref<!tpu.dma_semaphore, #tpu.memory_space<semaphore_mem>>)
        %dma_wait3A = arith.constant 0 : i32
        %dma_wait3A_115 = arith.constant 0 : i32
        %dma_wait3A_116 = tpu.memref_slice %arg11[%dma_wait3A, %dma_wait3A_115] : memref<80x128xf32, #tpu.memory_space<vmem>> -> memref<40x128xf32, #tpu.memory_space<vmem>>
        %dma_wait3A_117 = arith.constant 0 : i32
        %dma_wait3A_118 = tpu.memref_slice %arg14[%add3A_104, %dma_wait3A_117] : memref<10000x128xf32, #tpu.memory_space<vmem_shared>> -> memref<40x128xf32, #tpu.memory_space<vmem_shared>>
        %dma_wait3A_119 = arith.constant 0 : i32
        %dma_wait3A_120 = tpu.memref_slice %arg14[%add3A_104, %dma_wait3A_119] : memref<10000x128xf32, #tpu.memory_space<vmem_shared>> -> memref<40x128xf32, #tpu.memory_space<vmem_shared>>
        %dma_wait3A_121 = arith.constant 0 : i32
        %dma_wait3A_122 = arith.constant 0 : i32
        %dma_wait3A_123 = tpu.memref_slice %arg11[%dma_wait3A_121, %dma_wait3A_122] : memref<80x128xf32, #tpu.memory_space<vmem>> -> memref<40x128xf32, #tpu.memory_space<vmem>>
        tpu.wait_dma2 semaphore(%run_scoped3A : memref<!tpu.dma_semaphore, #tpu.memory_space<semaphore_mem>>) src(%dma_wait3A_123 : memref<40x128xf32, #tpu.memory_space<vmem>>) dst(%dma_wait3A_120 : memref<40x128xf32, #tpu.memory_space<vmem_shared>>)
        tpu.yield
      }) : () -> ()
    } else {
    }
    %dma_start3A_19 = arith.constant 80 : i32
    %dma_start3A_20 = tpu.memref_slice %arg7[%dma_start3A_19] : memref<2000xi32, #tpu.memory_space<vmem>> -> memref<80xi32, #tpu.memory_space<vmem>>
    %dma_start3A_21 = arith.constant 0 : i32
    %dma_start3A_22 = arith.constant 0 : i32
    %dma_start3A_23 = tpu.memref_slice %arg2[%dma_start3A_21, %dma_start3A_22] : memref<10000x128xf32, #tpu.memory_space<hbm>> -> memref<10000x128xf32, #tpu.memory_space<hbm>>
    tpu.enqueue_indirect_dma source(%dma_start3A_23 : memref<10000x128xf32, #tpu.memory_space<hbm>>) target(%arg11 : memref<80x128xf32, #tpu.memory_space<vmem>>) offsets(%dma_start3A_20 : memref<80xi32, #tpu.memory_space<vmem>>) semaphore(%arg16 : memref<!tpu.dma_semaphore, #tpu.memory_space<semaphore_mem>>)
    %add3A_24 = arith.constant 80 : i32
    %add3A_25 = arith.addi %mul3A_2, %add3A_24 : i32
    %dma_start3A_26 = tpu.memref_slice %arg5[%add3A_25] : memref<320000xi32, #tpu.memory_space<hbm>> -> memref<80xi32, #tpu.memory_space<hbm>>
    %dma_start3A_27 = tpu.memref_slice %arg5[%add3A_25] : memref<320000xi32, #tpu.memory_space<hbm>> -> memref<80xi32, #tpu.memory_space<hbm>>
    tpu.enqueue_dma source(%dma_start3A_27 : memref<80xi32, #tpu.memory_space<hbm>>) target(%arg9 : memref<80xi32, #tpu.memory_space<vmem>>) target_semaphore(%arg20 : memref<!tpu.dma_semaphore, #tpu.memory_space<semaphore_mem>>)
    %add3A_28 = arith.constant 80 : i32
    %add3A_29 = arith.addi %mul3A_2, %add3A_28 : i32
    %dma_start3A_30 = arith.constant 0 : i32
    %dma_start3A_31 = tpu.memref_slice %arg3[%add3A_29, %dma_start3A_30] : memref<320000x128xf32, #tpu.memory_space<hbm>> -> memref<80x128xf32, #tpu.memory_space<hbm>>
    %dma_start3A_32 = arith.constant 0 : i32
    %dma_start3A_33 = tpu.memref_slice %arg3[%add3A_29, %dma_start3A_32] : memref<320000x128xf32, #tpu.memory_space<hbm>> -> memref<80x128xf32, #tpu.memory_space<hbm>>
    tpu.enqueue_dma source(%dma_start3A_33 : memref<80x128xf32, #tpu.memory_space<hbm>>) target(%arg13 : memref<80x128xf32, #tpu.memory_space<vmem>>) target_semaphore(%arg18 : memref<!tpu.dma_semaphore, #tpu.memory_space<semaphore_mem>>)
    %barrier3A = arith.constant 0 : index
    tpu.barrier barrier_id(%barrier3A)
    %scan3A = arith.constant 0 : i32
    %scan3A_34 = arith.constant 0 : i32
    %scan3A_35 = arith.constant 5 : i32
    %scan3A_36 = arith.addi %scan3A_34, %scan3A_35 : i32
    %scan3A_37 = arith.constant 1 : i32
    %scan3A_38 = scf.for %scan3A_46 = %scan3A_34 to %scan3A_36 step %scan3A_37 iter_args(%scan3A_47 = %scan3A) -> (i32)  : i32 {
      %gt3A = arith.constant 0 : i32
      %gt3A_48 = arith.cmpi sgt, %scan3A_46, %gt3A : i32
      %convert_element_type3A_49 = arith.extui %gt3A_48 : i1 to i32
      %cond3A_50 = arith.constant 0 : i32
      %cond3A_51 = arith.cmpi ne, %convert_element_type3A_49, %cond3A_50 : i32
      scf.if %cond3A_51 {
        %mul3A_91 = arith.constant 2000 : i32
        %mul3A_92 = arith.muli %scan3A_46, %mul3A_91 : i32
        %add3A_93 = arith.addi %mul3A_2, %mul3A_92 : i32
        "tpu.region"() ({
          %run_scoped3A = tpu.sem_alloc : memref<!tpu.dma_semaphore, #tpu.memory_space<semaphore_mem>>
          %dma_start3A_144 = tpu.memref_slice %arg4[%add3A_93] : memref<320000xi32, #tpu.memory_space<hbm>> -> memref<2000xi32, #tpu.memory_space<hbm>>
          %dma_start3A_145 = tpu.memref_slice %arg4[%add3A_93] : memref<320000xi32, #tpu.memory_space<hbm>> -> memref<2000xi32, #tpu.memory_space<hbm>>
          tpu.enqueue_dma source(%dma_start3A_145 : memref<2000xi32, #tpu.memory_space<hbm>>) target(%arg7 : memref<2000xi32, #tpu.memory_space<vmem>>) target_semaphore(%run_scoped3A : memref<!tpu.dma_semaphore, #tpu.memory_space<semaphore_mem>>)
          %dma_wait3A_146 = tpu.memref_slice %arg4[%add3A_93] : memref<320000xi32, #tpu.memory_space<hbm>> -> memref<2000xi32, #tpu.memory_space<hbm>>
          %dma_wait3A_147 = tpu.memref_slice %arg4[%add3A_93] : memref<320000xi32, #tpu.memory_space<hbm>> -> memref<2000xi32, #tpu.memory_space<hbm>>
          tpu.wait_dma2 semaphore(%run_scoped3A : memref<!tpu.dma_semaphore, #tpu.memory_space<semaphore_mem>>) src(%dma_wait3A_147 : memref<2000xi32, #tpu.memory_space<hbm>>) dst(%arg7 : memref<2000xi32, #tpu.memory_space<vmem>>)
          tpu.yield
        }) : () -> ()
        %dma_start3A_94 = arith.constant 0 : i32
        %dma_start3A_95 = tpu.memref_slice %arg7[%dma_start3A_94] : memref<2000xi32, #tpu.memory_space<vmem>> -> memref<80xi32, #tpu.memory_space<vmem>>
        %dma_start3A_96 = arith.constant 0 : i32
        %dma_start3A_97 = arith.constant 0 : i32
        %dma_start3A_98 = tpu.memref_slice %arg2[%dma_start3A_96, %dma_start3A_97] : memref<10000x128xf32, #tpu.memory_space<hbm>> -> memref<10000x128xf32, #tpu.memory_space<hbm>>
        tpu.enqueue_indirect_dma source(%dma_start3A_98 : memref<10000x128xf32, #tpu.memory_space<hbm>>) target(%arg10 : memref<80x128xf32, #tpu.memory_space<vmem>>) offsets(%dma_start3A_95 : memref<80xi32, #tpu.memory_space<vmem>>) semaphore(%arg15 : memref<!tpu.dma_semaphore, #tpu.memory_space<semaphore_mem>>)
        %mul3A_99 = arith.constant 25 : i32
        %mul3A_100 = arith.muli %scan3A_46, %mul3A_99 : i32
        %add3A_101 = arith.constant 0 : i32
        %add3A_102 = arith.addi %mul3A_100, %add3A_101 : i32
        %mul3A_103 = arith.constant 80 : i32
        %mul3A_104 = arith.muli %add3A_102, %mul3A_103 : i32
        %add3A_105 = arith.addi %mul3A_2, %mul3A_104 : i32
        %dma_start3A_106 = tpu.memref_slice %arg5[%add3A_105] : memref<320000xi32, #tpu.memory_space<hbm>> -> memref<80xi32, #tpu.memory_space<hbm>>
        %dma_start3A_107 = tpu.memref_slice %arg5[%add3A_105] : memref<320000xi32, #tpu.memory_space<hbm>> -> memref<80xi32, #tpu.memory_space<hbm>>
        tpu.enqueue_dma source(%dma_start3A_107 : memref<80xi32, #tpu.memory_space<hbm>>) target(%arg8 : memref<80xi32, #tpu.memory_space<vmem>>) target_semaphore(%arg19 : memref<!tpu.dma_semaphore, #tpu.memory_space<semaphore_mem>>)
        %mul3A_108 = arith.constant 25 : i32
        %mul3A_109 = arith.muli %scan3A_46, %mul3A_108 : i32
        %add3A_110 = arith.constant 0 : i32
        %add3A_111 = arith.addi %mul3A_109, %add3A_110 : i32
        %mul3A_112 = arith.constant 80 : i32
        %mul3A_113 = arith.muli %add3A_111, %mul3A_112 : i32
        %add3A_114 = arith.addi %mul3A_2, %mul3A_113 : i32
        %dma_start3A_115 = arith.constant 0 : i32
        %dma_start3A_116 = tpu.memref_slice %arg3[%add3A_114, %dma_start3A_115] : memref<320000x128xf32, #tpu.memory_space<hbm>> -> memref<80x128xf32, #tpu.memory_space<hbm>>
        %dma_start3A_117 = arith.constant 0 : i32
        %dma_start3A_118 = tpu.memref_slice %arg3[%add3A_114, %dma_start3A_117] : memref<320000x128xf32, #tpu.memory_space<hbm>> -> memref<80x128xf32, #tpu.memory_space<hbm>>
        tpu.enqueue_dma source(%dma_start3A_118 : memref<80x128xf32, #tpu.memory_space<hbm>>) target(%arg12 : memref<80x128xf32, #tpu.memory_space<vmem>>) target_semaphore(%arg17 : memref<!tpu.dma_semaphore, #tpu.memory_space<semaphore_mem>>)
        %dma_start3A_119 = arith.constant 80 : i32
        %dma_start3A_120 = tpu.memref_slice %arg7[%dma_start3A_119] : memref<2000xi32, #tpu.memory_space<vmem>> -> memref<80xi32, #tpu.memory_space<vmem>>
        %dma_start3A_121 = arith.constant 0 : i32
        %dma_start3A_122 = arith.constant 0 : i32
        %dma_start3A_123 = tpu.memref_slice %arg2[%dma_start3A_121, %dma_start3A_122] : memref<10000x128xf32, #tpu.memory_space<hbm>> -> memref<10000x128xf32, #tpu.memory_space<hbm>>
        tpu.enqueue_indirect_dma source(%dma_start3A_123 : memref<10000x128xf32, #tpu.memory_space<hbm>>) target(%arg11 : memref<80x128xf32, #tpu.memory_space<vmem>>) offsets(%dma_start3A_120 : memref<80xi32, #tpu.memory_space<vmem>>) semaphore(%arg16 : memref<!tpu.dma_semaphore, #tpu.memory_space<semaphore_mem>>)
        %mul3A_124 = arith.constant 25 : i32
        %mul3A_125 = arith.muli %scan3A_46, %mul3A_124 : i32
        %add3A_126 = arith.constant 1 : i32
        %add3A_127 = arith.addi %mul3A_125, %add3A_126 : i32
        %mul3A_128 = arith.constant 80 : i32
        %mul3A_129 = arith.muli %add3A_127, %mul3A_128 : i32
        %add3A_130 = arith.addi %mul3A_2, %mul3A_129 : i32
        %dma_start3A_131 = tpu.memref_slice %arg5[%add3A_130] : memref<320000xi32, #tpu.memory_space<hbm>> -> memref<80xi32, #tpu.memory_space<hbm>>
        %dma_start3A_132 = tpu.memref_slice %arg5[%add3A_130] : memref<320000xi32, #tpu.memory_space<hbm>> -> memref<80xi32, #tpu.memory_space<hbm>>
        tpu.enqueue_dma source(%dma_start3A_132 : memref<80xi32, #tpu.memory_space<hbm>>) target(%arg9 : memref<80xi32, #tpu.memory_space<vmem>>) target_semaphore(%arg20 : memref<!tpu.dma_semaphore, #tpu.memory_space<semaphore_mem>>)
        %mul3A_133 = arith.constant 25 : i32
        %mul3A_134 = arith.muli %scan3A_46, %mul3A_133 : i32
        %add3A_135 = arith.constant 1 : i32
        %add3A_136 = arith.addi %mul3A_134, %add3A_135 : i32
        %mul3A_137 = arith.constant 80 : i32
        %mul3A_138 = arith.muli %add3A_136, %mul3A_137 : i32
        %add3A_139 = arith.addi %mul3A_2, %mul3A_138 : i32
        %dma_start3A_140 = arith.constant 0 : i32
        %dma_start3A_141 = tpu.memref_slice %arg3[%add3A_139, %dma_start3A_140] : memref<320000x128xf32, #tpu.memory_space<hbm>> -> memref<80x128xf32, #tpu.memory_space<hbm>>
        %dma_start3A_142 = arith.constant 0 : i32
        %dma_start3A_143 = tpu.memref_slice %arg3[%add3A_139, %dma_start3A_142] : memref<320000x128xf32, #tpu.memory_space<hbm>> -> memref<80x128xf32, #tpu.memory_space<hbm>>
        tpu.enqueue_dma source(%dma_start3A_143 : memref<80x128xf32, #tpu.memory_space<hbm>>) target(%arg13 : memref<80x128xf32, #tpu.memory_space<vmem>>) target_semaphore(%arg18 : memref<!tpu.dma_semaphore, #tpu.memory_space<semaphore_mem>>)
      } else {
      }
      %scan3A_52 = arith.constant 0 : i32
      %scan3A_53 = arith.constant 0 : i32
      %scan3A_54 = arith.constant 12 : i32
      %scan3A_55 = arith.addi %scan3A_53, %scan3A_54 : i32
      %scan3A_56 = arith.constant 1 : i32
      %scan3A_57 = scf.for %scan3A_91 = %scan3A_53 to %scan3A_55 step %scan3A_56 iter_args(%scan3A_92 = %scan3A_52) -> (i32)  : i32 {
        %mul3A_93 = arith.constant 2 : i32
        %mul3A_94 = arith.muli %mul3A_93, %scan3A_91 : i32
        %mul3A_95 = arith.constant 80 : i32
        %mul3A_96 = arith.muli %mul3A_94, %mul3A_95 : i32
        %dma_wait3A_97 = tpu.memref_slice %arg7[%mul3A_96] : memref<2000xi32, #tpu.memory_space<vmem>> -> memref<80xi32, #tpu.memory_space<vmem>>
        %dma_wait3A_98 = arith.constant 0 : i32
        %dma_wait3A_99 = arith.constant 0 : i32
        %dma_wait3A_100 = tpu.memref_slice %arg2[%dma_wait3A_98, %dma_wait3A_99] : memref<10000x128xf32, #tpu.memory_space<hbm>> -> memref<10000x128xf32, #tpu.memory_space<hbm>>
        tpu.wait_indirect_dma semaphore(%arg15 : memref<!tpu.dma_semaphore, #tpu.memory_space<semaphore_mem>>) src(%dma_wait3A_100 : memref<10000x128xf32, #tpu.memory_space<hbm>>) dst(%arg10 : memref<80x128xf32, #tpu.memory_space<vmem>>)
        %mul3A_101 = arith.constant 25 : i32
        %mul3A_102 = arith.muli %scan3A_46, %mul3A_101 : i32
        %add3A_103 = arith.addi %mul3A_102, %mul3A_94 : i32
        %mul3A_104 = arith.constant 80 : i32
        %mul3A_105 = arith.muli %add3A_103, %mul3A_104 : i32
        %add3A_106 = arith.addi %mul3A_2, %mul3A_105 : i32
        %dma_wait3A_107 = arith.constant 0 : i32
        %dma_wait3A_108 = tpu.memref_slice %arg3[%add3A_106, %dma_wait3A_107] : memref<320000x128xf32, #tpu.memory_space<hbm>> -> memref<80x128xf32, #tpu.memory_space<hbm>>
        %dma_wait3A_109 = arith.constant 0 : i32
        %dma_wait3A_110 = tpu.memref_slice %arg3[%add3A_106, %dma_wait3A_109] : memref<320000x128xf32, #tpu.memory_space<hbm>> -> memref<80x128xf32, #tpu.memory_space<hbm>>
        tpu.wait_dma2 semaphore(%arg17 : memref<!tpu.dma_semaphore, #tpu.memory_space<semaphore_mem>>) src(%dma_wait3A_110 : memref<80x128xf32, #tpu.memory_space<hbm>>) dst(%arg12 : memref<80x128xf32, #tpu.memory_space<vmem>>)
        %mul3A_111 = arith.constant 25 : i32
        %mul3A_112 = arith.muli %scan3A_46, %mul3A_111 : i32
        %add3A_113 = arith.addi %mul3A_112, %mul3A_94 : i32
        %mul3A_114 = arith.constant 80 : i32
        %mul3A_115 = arith.muli %add3A_113, %mul3A_114 : i32
        %add3A_116 = arith.addi %mul3A_2, %mul3A_115 : i32
        %dma_wait3A_117 = tpu.memref_slice %arg5[%add3A_116] : memref<320000xi32, #tpu.memory_space<hbm>> -> memref<80xi32, #tpu.memory_space<hbm>>
        %dma_wait3A_118 = tpu.memref_slice %arg5[%add3A_116] : memref<320000xi32, #tpu.memory_space<hbm>> -> memref<80xi32, #tpu.memory_space<hbm>>
        tpu.wait_dma2 semaphore(%arg19 : memref<!tpu.dma_semaphore, #tpu.memory_space<semaphore_mem>>) src(%dma_wait3A_118 : memref<80xi32, #tpu.memory_space<hbm>>) dst(%arg8 : memref<80xi32, #tpu.memory_space<vmem>>)
        %scan3A_119 = arith.constant 0 : i32
        %scan3A_120 = arith.constant 0 : i32
        %scan3A_121 = arith.constant 80 : i32
        %scan3A_122 = arith.addi %scan3A_120, %scan3A_121 : i32
        %scan3A_123 = arith.constant 1 : i32
        %scan3A_124 = scf.for %scan3A_174 = %scan3A_120 to %scan3A_122 step %scan3A_123 iter_args(%scan3A_175 = %scan3A_119) -> (i32)  : i32 {
          %get3A = arith.index_cast %scan3A_174 : i32 to index
          %get3A_176 = arith.constant 0 : index
          %get3A_177 = tpu.vector_load %arg10[%get3A, %get3A_176] {strides = array<i32>} : memref<80x128xf32, #tpu.memory_space<vmem>>, vector<1x16xf32>,
          %get3A_178 = vector.shape_cast %get3A_177 : vector<1x16xf32> to vector<16xf32>
          %get3A_179 = arith.index_cast %scan3A_174 : i32 to index
          %get3A_180 = arith.constant 0 : index
          %get3A_181 = tpu.vector_load %arg12[%get3A_179, %get3A_180] {strides = array<i32>} : memref<80x128xf32, #tpu.memory_space<vmem>>, vector<1x16xf32>,
          %get3A_182 = vector.shape_cast %get3A_181 : vector<1x16xf32> to vector<16xf32>
          %add3A_183 = arith.addf %get3A_178, %get3A_182 : vector<16xf32>
          %max3A = arith.constant 0.000000e+00 : f32
          %max3A_184 = vector.broadcast %max3A : f32 to vector<16xf32>
          %max3A_185 = arith.maximumf %add3A_183, %max3A_184 : vector<16xf32>
          %swap3A = arith.index_cast %scan3A_174 : i32 to index
          %swap3A_186 = arith.constant 0 : index
          %swap3A_187 = tpu.vector_load %arg10[%swap3A, %swap3A_186] {strides = array<i32>} : memref<80x128xf32, #tpu.memory_space<vmem>>, vector<1x16xf32>,
          %swap3A_188 = vector.shape_cast %swap3A_187 : vector<1x16xf32> to vector<16xf32>
          %swap3A_189 = vector.shape_cast %max3A_185 : vector<16xf32> to vector<1x16xf32>
          tpu.vector_store %arg10[%swap3A, %swap3A_186], %swap3A_189 {strides = array<i32>} : memref<80x128xf32, #tpu.memory_space<vmem>>, vector<1x16xf32>,
          %get3A_190 = arith.index_cast %scan3A_174 : i32 to index
          %get3A_191 = arith.constant 16 : index
          %get3A_192 = tpu.vector_load %arg10[%get3A_190, %get3A_191] {strides = array<i32>} : memref<80x128xf32, #tpu.memory_space<vmem>>, vector<1x16xf32>,
          %get3A_193 = vector.shape_cast %get3A_192 : vector<1x16xf32> to vector<16xf32>
          %get3A_194 = arith.index_cast %scan3A_174 : i32 to index
          %get3A_195 = arith.constant 16 : index
          %get3A_196 = tpu.vector_load %arg12[%get3A_194, %get3A_195] {strides = array<i32>} : memref<80x128xf32, #tpu.memory_space<vmem>>, vector<1x16xf32>,
          %get3A_197 = vector.shape_cast %get3A_196 : vector<1x16xf32> to vector<16xf32>
          %add3A_198 = arith.addf %get3A_193, %get3A_197 : vector<16xf32>
          %max3A_199 = arith.constant 0.000000e+00 : f32
          %max3A_200 = vector.broadcast %max3A_199 : f32 to vector<16xf32>
          %max3A_201 = arith.maximumf %add3A_198, %max3A_200 : vector<16xf32>
          %swap3A_202 = arith.index_cast %scan3A_174 : i32 to index
          %swap3A_203 = arith.constant 16 : index
          %swap3A_204 = tpu.vector_load %arg10[%swap3A_202, %swap3A_203] {strides = array<i32>} : memref<80x128xf32, #tpu.memory_space<vmem>>, vector<1x16xf32>,
          %swap3A_205 = vector.shape_cast %swap3A_204 : vector<1x16xf32> to vector<16xf32>
          %swap3A_206 = vector.shape_cast %max3A_201 : vector<16xf32> to vector<1x16xf32>
          tpu.vector_store %arg10[%swap3A_202, %swap3A_203], %swap3A_206 {strides = array<i32>} : memref<80x128xf32, #tpu.memory_space<vmem>>, vector<1x16xf32>,
          %get3A_207 = arith.index_cast %scan3A_174 : i32 to index
          %get3A_208 = arith.constant 32 : index
          %get3A_209 = tpu.vector_load %arg10[%get3A_207, %get3A_208] {strides = array<i32>} : memref<80x128xf32, #tpu.memory_space<vmem>>, vector<1x16xf32>,
          %get3A_210 = vector.shape_cast %get3A_209 : vector<1x16xf32> to vector<16xf32>
          %get3A_211 = arith.index_cast %scan3A_174 : i32 to index
          %get3A_212 = arith.constant 32 : index
          %get3A_213 = tpu.vector_load %arg12[%get3A_211, %get3A_212] {strides = array<i32>} : memref<80x128xf32, #tpu.memory_space<vmem>>, vector<1x16xf32>,
          %get3A_214 = vector.shape_cast %get3A_213 : vector<1x16xf32> to vector<16xf32>
          %add3A_215 = arith.addf %get3A_210, %get3A_214 : vector<16xf32>
          %max3A_216 = arith.constant 0.000000e+00 : f32
          %max3A_217 = vector.broadcast %max3A_216 : f32 to vector<16xf32>
          %max3A_218 = arith.maximumf %add3A_215, %max3A_217 : vector<16xf32>
          %swap3A_219 = arith.index_cast %scan3A_174 : i32 to index
          %swap3A_220 = arith.constant 32 : index
          %swap3A_221 = tpu.vector_load %arg10[%swap3A_219, %swap3A_220] {strides = array<i32>} : memref<80x128xf32, #tpu.memory_space<vmem>>, vector<1x16xf32>,
          %swap3A_222 = vector.shape_cast %swap3A_221 : vector<1x16xf32> to vector<16xf32>
          %swap3A_223 = vector.shape_cast %max3A_218 : vector<16xf32> to vector<1x16xf32>
          tpu.vector_store %arg10[%swap3A_219, %swap3A_220], %swap3A_223 {strides = array<i32>} : memref<80x128xf32, #tpu.memory_space<vmem>>, vector<1x16xf32>,
          %get3A_224 = arith.index_cast %scan3A_174 : i32 to index
          %get3A_225 = arith.constant 48 : index
          %get3A_226 = tpu.vector_load %arg10[%get3A_224, %get3A_225] {strides = array<i32>} : memref<80x128xf32, #tpu.memory_space<vmem>>, vector<1x16xf32>,
          %get3A_227 = vector.shape_cast %get3A_226 : vector<1x16xf32> to vector<16xf32>
          %get3A_228 = arith.index_cast %scan3A_174 : i32 to index
          %get3A_229 = arith.constant 48 : index
          %get3A_230 = tpu.vector_load %arg12[%get3A_228, %get3A_229] {strides = array<i32>} : memref<80x128xf32, #tpu.memory_space<vmem>>, vector<1x16xf32>,
          %get3A_231 = vector.shape_cast %get3A_230 : vector<1x16xf32> to vector<16xf32>
          %add3A_232 = arith.addf %get3A_227, %get3A_231 : vector<16xf32>
          %max3A_233 = arith.constant 0.000000e+00 : f32
          %max3A_234 = vector.broadcast %max3A_233 : f32 to vector<16xf32>
          %max3A_235 = arith.maximumf %add3A_232, %max3A_234 : vector<16xf32>
          %swap3A_236 = arith.index_cast %scan3A_174 : i32 to index
          %swap3A_237 = arith.constant 48 : index
          %swap3A_238 = tpu.vector_load %arg10[%swap3A_236, %swap3A_237] {strides = array<i32>} : memref<80x128xf32, #tpu.memory_space<vmem>>, vector<1x16xf32>,
          %swap3A_239 = vector.shape_cast %swap3A_238 : vector<1x16xf32> to vector<16xf32>
          %swap3A_240 = vector.shape_cast %max3A_235 : vector<16xf32> to vector<1x16xf32>
          tpu.vector_store %arg10[%swap3A_236, %swap3A_237], %swap3A_240 {strides = array<i32>} : memref<80x128xf32, #tpu.memory_space<vmem>>, vector<1x16xf32>,
          %get3A_241 = arith.index_cast %scan3A_174 : i32 to index
          %get3A_242 = arith.constant 64 : index
          %get3A_243 = tpu.vector_load %arg10[%get3A_241, %get3A_242] {strides = array<i32>} : memref<80x128xf32, #tpu.memory_space<vmem>>, vector<1x16xf32>,
          %get3A_244 = vector.shape_cast %get3A_243 : vector<1x16xf32> to vector<16xf32>
          %get3A_245 = arith.index_cast %scan3A_174 : i32 to index
          %get3A_246 = arith.constant 64 : index
          %get3A_247 = tpu.vector_load %arg12[%get3A_245, %get3A_246] {strides = array<i32>} : memref<80x128xf32, #tpu.memory_space<vmem>>, vector<1x16xf32>,
          %get3A_248 = vector.shape_cast %get3A_247 : vector<1x16xf32> to vector<16xf32>
          %add3A_249 = arith.addf %get3A_244, %get3A_248 : vector<16xf32>
          %max3A_250 = arith.constant 0.000000e+00 : f32
          %max3A_251 = vector.broadcast %max3A_250 : f32 to vector<16xf32>
          %max3A_252 = arith.maximumf %add3A_249, %max3A_251 : vector<16xf32>
          %swap3A_253 = arith.index_cast %scan3A_174 : i32 to index
          %swap3A_254 = arith.constant 64 : index
          %swap3A_255 = tpu.vector_load %arg10[%swap3A_253, %swap3A_254] {strides = array<i32>} : memref<80x128xf32, #tpu.memory_space<vmem>>, vector<1x16xf32>,
          %swap3A_256 = vector.shape_cast %swap3A_255 : vector<1x16xf32> to vector<16xf32>
          %swap3A_257 = vector.shape_cast %max3A_252 : vector<16xf32> to vector<1x16xf32>
          tpu.vector_store %arg10[%swap3A_253, %swap3A_254], %swap3A_257 {strides = array<i32>} : memref<80x128xf32, #tpu.memory_space<vmem>>, vector<1x16xf32>,
          %get3A_258 = arith.index_cast %scan3A_174 : i32 to index
          %get3A_259 = arith.constant 80 : index
          %get3A_260 = tpu.vector_load %arg10[%get3A_258, %get3A_259] {strides = array<i32>} : memref<80x128xf32, #tpu.memory_space<vmem>>, vector<1x16xf32>,
          %get3A_261 = vector.shape_cast %get3A_260 : vector<1x16xf32> to vector<16xf32>
          %get3A_262 = arith.index_cast %scan3A_174 : i32 to index
          %get3A_263 = arith.constant 80 : index
          %get3A_264 = tpu.vector_load %arg12[%get3A_262, %get3A_263] {strides = array<i32>} : memref<80x128xf32, #tpu.memory_space<vmem>>, vector<1x16xf32>,
          %get3A_265 = vector.shape_cast %get3A_264 : vector<1x16xf32> to vector<16xf32>
          %add3A_266 = arith.addf %get3A_261, %get3A_265 : vector<16xf32>
          %max3A_267 = arith.constant 0.000000e+00 : f32
          %max3A_268 = vector.broadcast %max3A_267 : f32 to vector<16xf32>
          %max3A_269 = arith.maximumf %add3A_266, %max3A_268 : vector<16xf32>
          %swap3A_270 = arith.index_cast %scan3A_174 : i32 to index
          %swap3A_271 = arith.constant 80 : index
          %swap3A_272 = tpu.vector_load %arg10[%swap3A_270, %swap3A_271] {strides = array<i32>} : memref<80x128xf32, #tpu.memory_space<vmem>>, vector<1x16xf32>,
          %swap3A_273 = vector.shape_cast %swap3A_272 : vector<1x16xf32> to vector<16xf32>
          %swap3A_274 = vector.shape_cast %max3A_269 : vector<16xf32> to vector<1x16xf32>
          tpu.vector_store %arg10[%swap3A_270, %swap3A_271], %swap3A_274 {strides = array<i32>} : memref<80x128xf32, #tpu.memory_space<vmem>>, vector<1x16xf32>,
          %get3A_275 = arith.index_cast %scan3A_174 : i32 to index
          %get3A_276 = arith.constant 96 : index
          %get3A_277 = tpu.vector_load %arg10[%get3A_275, %get3A_276] {strides = array<i32>} : memref<80x128xf32, #tpu.memory_space<vmem>>, vector<1x16xf32>,
          %get3A_278 = vector.shape_cast %get3A_277 : vector<1x16xf32> to vector<16xf32>
          %get3A_279 = arith.index_cast %scan3A_174 : i32 to index
          %get3A_280 = arith.constant 96 : index
          %get3A_281 = tpu.vector_load %arg12[%get3A_279, %get3A_280] {strides = array<i32>} : memref<80x128xf32, #tpu.memory_space<vmem>>, vector<1x16xf32>,
          %get3A_282 = vector.shape_cast %get3A_281 : vector<1x16xf32> to vector<16xf32>
          %add3A_283 = arith.addf %get3A_278, %get3A_282 : vector<16xf32>
          %max3A_284 = arith.constant 0.000000e+00 : f32
          %max3A_285 = vector.broadcast %max3A_284 : f32 to vector<16xf32>
          %max3A_286 = arith.maximumf %add3A_283, %max3A_285 : vector<16xf32>
          %swap3A_287 = arith.index_cast %scan3A_174 : i32 to index
          %swap3A_288 = arith.constant 96 : index
          %swap3A_289 = tpu.vector_load %arg10[%swap3A_287, %swap3A_288] {strides = array<i32>} : memref<80x128xf32, #tpu.memory_space<vmem>>, vector<1x16xf32>,
          %swap3A_290 = vector.shape_cast %swap3A_289 : vector<1x16xf32> to vector<16xf32>
          %swap3A_291 = vector.shape_cast %max3A_286 : vector<16xf32> to vector<1x16xf32>
          tpu.vector_store %arg10[%swap3A_287, %swap3A_288], %swap3A_291 {strides = array<i32>} : memref<80x128xf32, #tpu.memory_space<vmem>>, vector<1x16xf32>,
          %get3A_292 = arith.index_cast %scan3A_174 : i32 to index
          %get3A_293 = arith.constant 112 : index
          %get3A_294 = tpu.vector_load %arg10[%get3A_292, %get3A_293] {strides = array<i32>} : memref<80x128xf32, #tpu.memory_space<vmem>>, vector<1x16xf32>,
          %get3A_295 = vector.shape_cast %get3A_294 : vector<1x16xf32> to vector<16xf32>
          %get3A_296 = arith.index_cast %scan3A_174 : i32 to index
          %get3A_297 = arith.constant 112 : index
          %get3A_298 = tpu.vector_load %arg12[%get3A_296, %get3A_297] {strides = array<i32>} : memref<80x128xf32, #tpu.memory_space<vmem>>, vector<1x16xf32>,
          %get3A_299 = vector.shape_cast %get3A_298 : vector<1x16xf32> to vector<16xf32>
          %add3A_300 = arith.addf %get3A_295, %get3A_299 : vector<16xf32>
          %max3A_301 = arith.constant 0.000000e+00 : f32
          %max3A_302 = vector.broadcast %max3A_301 : f32 to vector<16xf32>
          %max3A_303 = arith.maximumf %add3A_300, %max3A_302 : vector<16xf32>
          %swap3A_304 = arith.index_cast %scan3A_174 : i32 to index
          %swap3A_305 = arith.constant 112 : index
          %swap3A_306 = tpu.vector_load %arg10[%swap3A_304, %swap3A_305] {strides = array<i32>} : memref<80x128xf32, #tpu.memory_space<vmem>>, vector<1x16xf32>,
          %swap3A_307 = vector.shape_cast %swap3A_306 : vector<1x16xf32> to vector<16xf32>
          %swap3A_308 = vector.shape_cast %max3A_303 : vector<16xf32> to vector<1x16xf32>
          tpu.vector_store %arg10[%swap3A_304, %swap3A_305], %swap3A_308 {strides = array<i32>} : memref<80x128xf32, #tpu.memory_space<vmem>>, vector<1x16xf32>,
          %scan3A_309 = arith.constant 0 : i32
          scf.yield %scan3A_309 : i32
        }
        %scan3A_125 = arith.constant 80 : i32
        "tpu.region"() ({
          %run_scoped3A = tpu.sem_alloc : memref<!tpu.dma_semaphore, #tpu.memory_space<semaphore_mem>>
          %dma_start3A_174 = arith.constant 0 : i32
          %dma_start3A_175 = arith.constant 0 : i32
          %dma_start3A_176 = tpu.memref_slice %arg14[%dma_start3A_174, %dma_start3A_175] : memref<10000x128xf32, #tpu.memory_space<vmem_shared>> -> memref<10000x128xf32, #tpu.memory_space<vmem_shared>>
          tpu.enqueue_indirect_dma source(%arg10 : memref<80x128xf32, #tpu.memory_space<vmem>>) target(%dma_start3A_176 : memref<10000x128xf32, #tpu.memory_space<vmem_shared>>) offsets(%arg8 : memref<80xi32, #tpu.memory_space<vmem>>) semaphore(%run_scoped3A : memref<!tpu.dma_semaphore, #tpu.memory_space<semaphore_mem>>) {add = true}
          %dma_wait3A_177 = arith.constant 0 : i32
          %dma_wait3A_178 = arith.constant 0 : i32
          %dma_wait3A_179 = tpu.memref_slice %arg14[%dma_wait3A_177, %dma_wait3A_178] : memref<10000x128xf32, #tpu.memory_space<vmem_shared>> -> memref<10000x128xf32, #tpu.memory_space<vmem_shared>>
          tpu.wait_indirect_dma semaphore(%run_scoped3A : memref<!tpu.dma_semaphore, #tpu.memory_space<semaphore_mem>>) src(%arg10 : memref<80x128xf32, #tpu.memory_space<vmem>>) dst(%dma_wait3A_179 : memref<10000x128xf32, #tpu.memory_space<vmem_shared>>)
          tpu.yield
        }) : () -> ()
        %add3A_126 = arith.constant 2 : i32
        %add3A_127 = arith.addi %mul3A_94, %add3A_126 : i32
        %lt3A_128 = arith.constant 25 : i32
        %lt3A_129 = arith.cmpi slt, %add3A_127, %lt3A_128 : i32
        %convert_element_type3A_130 = arith.extui %lt3A_129 : i1 to i32
        %cond3A_131 = arith.constant 0 : i32
        %cond3A_132 = arith.cmpi ne, %convert_element_type3A_130, %cond3A_131 : i32
        scf.if %cond3A_132 {
          %add3A_174 = arith.constant 2 : i32
          %add3A_175 = arith.addi %mul3A_94, %add3A_174 : i32
          %mul3A_176 = arith.constant 80 : i32
          %mul3A_177 = arith.muli %add3A_175, %mul3A_176 : i32
          %dma_start3A_178 = tpu.memref_slice %arg7[%mul3A_177] : memref<2000xi32, #tpu.memory_space<vmem>> -> memref<80xi32, #tpu.memory_space<vmem>>
          %dma_start3A_179 = arith.constant 0 : i32
          %dma_start3A_180 = arith.constant 0 : i32
          %dma_start3A_181 = tpu.memref_slice %arg2[%dma_start3A_179, %dma_start3A_180] : memref<10000x128xf32, #tpu.memory_space<hbm>> -> memref<10000x128xf32, #tpu.memory_space<hbm>>
          tpu.enqueue_indirect_dma source(%dma_start3A_181 : memref<10000x128xf32, #tpu.memory_space<hbm>>) target(%arg10 : memref<80x128xf32, #tpu.memory_space<vmem>>) offsets(%dma_start3A_178 : memref<80xi32, #tpu.memory_space<vmem>>) semaphore(%arg15 : memref<!tpu.dma_semaphore, #tpu.memory_space<semaphore_mem>>)
          %mul3A_182 = arith.constant 25 : i32
          %mul3A_183 = arith.muli %scan3A_46, %mul3A_182 : i32
          %add3A_184 = arith.addi %mul3A_183, %add3A_175 : i32
          %mul3A_185 = arith.constant 80 : i32
          %mul3A_186 = arith.muli %add3A_184, %mul3A_185 : i32
          %add3A_187 = arith.addi %mul3A_2, %mul3A_186 : i32
          %dma_start3A_188 = tpu.memref_slice %arg5[%add3A_187] : memref<320000xi32, #tpu.memory_space<hbm>> -> memref<80xi32, #tpu.memory_space<hbm>>
          %dma_start3A_189 = tpu.memref_slice %arg5[%add3A_187] : memref<320000xi32, #tpu.memory_space<hbm>> -> memref<80xi32, #tpu.memory_space<hbm>>
          tpu.enqueue_dma source(%dma_start3A_189 : memref<80xi32, #tpu.memory_space<hbm>>) target(%arg8 : memref<80xi32, #tpu.memory_space<vmem>>) target_semaphore(%arg19 : memref<!tpu.dma_semaphore, #tpu.memory_space<semaphore_mem>>)
          %mul3A_190 = arith.constant 25 : i32
          %mul3A_191 = arith.muli %scan3A_46, %mul3A_190 : i32
          %add3A_192 = arith.addi %mul3A_191, %add3A_175 : i32
          %mul3A_193 = arith.constant 80 : i32
          %mul3A_194 = arith.muli %add3A_192, %mul3A_193 : i32
          %add3A_195 = arith.addi %mul3A_2, %mul3A_194 : i32
          %dma_start3A_196 = arith.constant 0 : i32
          %dma_start3A_197 = tpu.memref_slice %arg3[%add3A_195, %dma_start3A_196] : memref<320000x128xf32, #tpu.memory_space<hbm>> -> memref<80x128xf32, #tpu.memory_space<hbm>>
          %dma_start3A_198 = arith.constant 0 : i32
          %dma_start3A_199 = tpu.memref_slice %arg3[%add3A_195, %dma_start3A_198] : memref<320000x128xf32, #tpu.memory_space<hbm>> -> memref<80x128xf32, #tpu.memory_space<hbm>>
          tpu.enqueue_dma source(%dma_start3A_199 : memref<80x128xf32, #tpu.memory_space<hbm>>) target(%arg12 : memref<80x128xf32, #tpu.memory_space<vmem>>) target_semaphore(%arg17 : memref<!tpu.dma_semaphore, #tpu.memory_space<semaphore_mem>>)
        } else {
        }
        %add3A_133 = arith.constant 1 : i32
        %add3A_134 = arith.addi %mul3A_94, %add3A_133 : i32
        %mul3A_135 = arith.constant 80 : i32
        %mul3A_136 = arith.muli %add3A_134, %mul3A_135 : i32
        %dma_wait3A_137 = tpu.memref_slice %arg7[%mul3A_136] : memref<2000xi32, #tpu.memory_space<vmem>> -> memref<80xi32, #tpu.memory_space<vmem>>
        %dma_wait3A_138 = arith.constant 0 : i32
        %dma_wait3A_139 = arith.constant 0 : i32
        %dma_wait3A_140 = tpu.memref_slice %arg2[%dma_wait3A_138, %dma_wait3A_139] : memref<10000x128xf32, #tpu.memory_space<hbm>> -> memref<10000x128xf32, #tpu.memory_space<hbm>>
        tpu.wait_indirect_dma semaphore(%arg16 : memref<!tpu.dma_semaphore, #tpu.memory_space<semaphore_mem>>) src(%dma_wait3A_140 : memref<10000x128xf32, #tpu.memory_space<hbm>>) dst(%arg11 : memref<80x128xf32, #tpu.memory_space<vmem>>)
        %mul3A_141 = arith.constant 25 : i32
        %mul3A_142 = arith.muli %scan3A_46, %mul3A_141 : i32
        %add3A_143 = arith.addi %mul3A_142, %add3A_134 : i32
        %mul3A_144 = arith.constant 80 : i32
        %mul3A_145 = arith.muli %add3A_143, %mul3A_144 : i32
        %add3A_146 = arith.addi %mul3A_2, %mul3A_145 : i32
        %dma_wait3A_147 = arith.constant 0 : i32
        %dma_wait3A_148 = tpu.memref_slice %arg3[%add3A_146, %dma_wait3A_147] : memref<320000x128xf32, #tpu.memory_space<hbm>> -> memref<80x128xf32, #tpu.memory_space<hbm>>
        %dma_wait3A_149 = arith.constant 0 : i32
        %dma_wait3A_150 = tpu.memref_slice %arg3[%add3A_146, %dma_wait3A_149] : memref<320000x128xf32, #tpu.memory_space<hbm>> -> memref<80x128xf32, #tpu.memory_space<hbm>>
        tpu.wait_dma2 semaphore(%arg18 : memref<!tpu.dma_semaphore, #tpu.memory_space<semaphore_mem>>) src(%dma_wait3A_150 : memref<80x128xf32, #tpu.memory_space<hbm>>) dst(%arg13 : memref<80x128xf32, #tpu.memory_space<vmem>>)
        %mul3A_151 = arith.constant 25 : i32
        %mul3A_152 = arith.muli %scan3A_46, %mul3A_151 : i32
        %add3A_153 = arith.addi %mul3A_152, %add3A_134 : i32
        %mul3A_154 = arith.constant 80 : i32
        %mul3A_155 = arith.muli %add3A_153, %mul3A_154 : i32
        %add3A_156 = arith.addi %mul3A_2, %mul3A_155 : i32
        %dma_wait3A_157 = tpu.memref_slice %arg5[%add3A_156] : memref<320000xi32, #tpu.memory_space<hbm>> -> memref<80xi32, #tpu.memory_space<hbm>>
        %dma_wait3A_158 = tpu.memref_slice %arg5[%add3A_156] : memref<320000xi32, #tpu.memory_space<hbm>> -> memref<80xi32, #tpu.memory_space<hbm>>
        tpu.wait_dma2 semaphore(%arg20 : memref<!tpu.dma_semaphore, #tpu.memory_space<semaphore_mem>>) src(%dma_wait3A_158 : memref<80xi32, #tpu.memory_space<hbm>>) dst(%arg9 : memref<80xi32, #tpu.memory_space<vmem>>)
        %scan3A_159 = arith.constant 0 : i32
        %scan3A_160 = arith.constant 0 : i32
        %scan3A_161 = arith.constant 80 : i32
        %scan3A_162 = arith.addi %scan3A_160, %scan3A_161 : i32
        %scan3A_163 = arith.constant 1 : i32
        %scan3A_164 = scf.for %scan3A_174 = %scan3A_160 to %scan3A_162 step %scan3A_163 iter_args(%scan3A_175 = %scan3A_159) -> (i32)  : i32 {
          %get3A = arith.index_cast %scan3A_174 : i32 to index
          %get3A_176 = arith.constant 0 : index
          %get3A_177 = tpu.vector_load %arg11[%get3A, %get3A_176] {strides = array<i32>} : memref<80x128xf32, #tpu.memory_space<vmem>>, vector<1x16xf32>,
          %get3A_178 = vector.shape_cast %get3A_177 : vector<1x16xf32> to vector<16xf32>
          %get3A_179 = arith.index_cast %scan3A_174 : i32 to index
          %get3A_180 = arith.constant 0 : index
          %get3A_181 = tpu.vector_load %arg13[%get3A_179, %get3A_180] {strides = array<i32>} : memref<80x128xf32, #tpu.memory_space<vmem>>, vector<1x16xf32>,
          %get3A_182 = vector.shape_cast %get3A_181 : vector<1x16xf32> to vector<16xf32>
          %add3A_183 = arith.addf %get3A_178, %get3A_182 : vector<16xf32>
          %max3A = arith.constant 0.000000e+00 : f32
          %max3A_184 = vector.broadcast %max3A : f32 to vector<16xf32>
          %max3A_185 = arith.maximumf %add3A_183, %max3A_184 : vector<16xf32>
          %swap3A = arith.index_cast %scan3A_174 : i32 to index
          %swap3A_186 = arith.constant 0 : index
          %swap3A_187 = tpu.vector_load %arg11[%swap3A, %swap3A_186] {strides = array<i32>} : memref<80x128xf32, #tpu.memory_space<vmem>>, vector<1x16xf32>,
          %swap3A_188 = vector.shape_cast %swap3A_187 : vector<1x16xf32> to vector<16xf32>
          %swap3A_189 = vector.shape_cast %max3A_185 : vector<16xf32> to vector<1x16xf32>
          tpu.vector_store %arg11[%swap3A, %swap3A_186], %swap3A_189 {strides = array<i32>} : memref<80x128xf32, #tpu.memory_space<vmem>>, vector<1x16xf32>,
          %get3A_190 = arith.index_cast %scan3A_174 : i32 to index
          %get3A_191 = arith.constant 16 : index
          %get3A_192 = tpu.vector_load %arg11[%get3A_190, %get3A_191] {strides = array<i32>} : memref<80x128xf32, #tpu.memory_space<vmem>>, vector<1x16xf32>,
          %get3A_193 = vector.shape_cast %get3A_192 : vector<1x16xf32> to vector<16xf32>
          %get3A_194 = arith.index_cast %scan3A_174 : i32 to index
          %get3A_195 = arith.constant 16 : index
          %get3A_196 = tpu.vector_load %arg13[%get3A_194, %get3A_195] {strides = array<i32>} : memref<80x128xf32, #tpu.memory_space<vmem>>, vector<1x16xf32>,
          %get3A_197 = vector.shape_cast %get3A_196 : vector<1x16xf32> to vector<16xf32>
          %add3A_198 = arith.addf %get3A_193, %get3A_197 : vector<16xf32>
          %max3A_199 = arith.constant 0.000000e+00 : f32
          %max3A_200 = vector.broadcast %max3A_199 : f32 to vector<16xf32>
          %max3A_201 = arith.maximumf %add3A_198, %max3A_200 : vector<16xf32>
          %swap3A_202 = arith.index_cast %scan3A_174 : i32 to index
          %swap3A_203 = arith.constant 16 : index
          %swap3A_204 = tpu.vector_load %arg11[%swap3A_202, %swap3A_203] {strides = array<i32>} : memref<80x128xf32, #tpu.memory_space<vmem>>, vector<1x16xf32>,
          %swap3A_205 = vector.shape_cast %swap3A_204 : vector<1x16xf32> to vector<16xf32>
          %swap3A_206 = vector.shape_cast %max3A_201 : vector<16xf32> to vector<1x16xf32>
          tpu.vector_store %arg11[%swap3A_202, %swap3A_203], %swap3A_206 {strides = array<i32>} : memref<80x128xf32, #tpu.memory_space<vmem>>, vector<1x16xf32>,
          %get3A_207 = arith.index_cast %scan3A_174 : i32 to index
          %get3A_208 = arith.constant 32 : index
          %get3A_209 = tpu.vector_load %arg11[%get3A_207, %get3A_208] {strides = array<i32>} : memref<80x128xf32, #tpu.memory_space<vmem>>, vector<1x16xf32>,
          %get3A_210 = vector.shape_cast %get3A_209 : vector<1x16xf32> to vector<16xf32>
          %get3A_211 = arith.index_cast %scan3A_174 : i32 to index
          %get3A_212 = arith.constant 32 : index
          %get3A_213 = tpu.vector_load %arg13[%get3A_211, %get3A_212] {strides = array<i32>} : memref<80x128xf32, #tpu.memory_space<vmem>>, vector<1x16xf32>,
          %get3A_214 = vector.shape_cast %get3A_213 : vector<1x16xf32> to vector<16xf32>
          %add3A_215 = arith.addf %get3A_210, %get3A_214 : vector<16xf32>
          %max3A_216 = arith.constant 0.000000e+00 : f32
          %max3A_217 = vector.broadcast %max3A_216 : f32 to vector<16xf32>
          %max3A_218 = arith.maximumf %add3A_215, %max3A_217 : vector<16xf32>
          %swap3A_219 = arith.index_cast %scan3A_174 : i32 to index
          %swap3A_220 = arith.constant 32 : index
          %swap3A_221 = tpu.vector_load %arg11[%swap3A_219, %swap3A_220] {strides = array<i32>} : memref<80x128xf32, #tpu.memory_space<vmem>>, vector<1x16xf32>,
          %swap3A_222 = vector.shape_cast %swap3A_221 : vector<1x16xf32> to vector<16xf32>
          %swap3A_223 = vector.shape_cast %max3A_218 : vector<16xf32> to vector<1x16xf32>
          tpu.vector_store %arg11[%swap3A_219, %swap3A_220], %swap3A_223 {strides = array<i32>} : memref<80x128xf32, #tpu.memory_space<vmem>>, vector<1x16xf32>,
          %get3A_224 = arith.index_cast %scan3A_174 : i32 to index
          %get3A_225 = arith.constant 48 : index
          %get3A_226 = tpu.vector_load %arg11[%get3A_224, %get3A_225] {strides = array<i32>} : memref<80x128xf32, #tpu.memory_space<vmem>>, vector<1x16xf32>,
          %get3A_227 = vector.shape_cast %get3A_226 : vector<1x16xf32> to vector<16xf32>
          %get3A_228 = arith.index_cast %scan3A_174 : i32 to index
          %get3A_229 = arith.constant 48 : index
          %get3A_230 = tpu.vector_load %arg13[%get3A_228, %get3A_229] {strides = array<i32>} : memref<80x128xf32, #tpu.memory_space<vmem>>, vector<1x16xf32>,
          %get3A_231 = vector.shape_cast %get3A_230 : vector<1x16xf32> to vector<16xf32>
          %add3A_232 = arith.addf %get3A_227, %get3A_231 : vector<16xf32>
          %max3A_233 = arith.constant 0.000000e+00 : f32
          %max3A_234 = vector.broadcast %max3A_233 : f32 to vector<16xf32>
          %max3A_235 = arith.maximumf %add3A_232, %max3A_234 : vector<16xf32>
          %swap3A_236 = arith.index_cast %scan3A_174 : i32 to index
          %swap3A_237 = arith.constant 48 : index
          %swap3A_238 = tpu.vector_load %arg11[%swap3A_236, %swap3A_237] {strides = array<i32>} : memref<80x128xf32, #tpu.memory_space<vmem>>, vector<1x16xf32>,
          %swap3A_239 = vector.shape_cast %swap3A_238 : vector<1x16xf32> to vector<16xf32>
          %swap3A_240 = vector.shape_cast %max3A_235 : vector<16xf32> to vector<1x16xf32>
          tpu.vector_store %arg11[%swap3A_236, %swap3A_237], %swap3A_240 {strides = array<i32>} : memref<80x128xf32, #tpu.memory_space<vmem>>, vector<1x16xf32>,
          %get3A_241 = arith.index_cast %scan3A_174 : i32 to index
          %get3A_242 = arith.constant 64 : index
          %get3A_243 = tpu.vector_load %arg11[%get3A_241, %get3A_242] {strides = array<i32>} : memref<80x128xf32, #tpu.memory_space<vmem>>, vector<1x16xf32>,
          %get3A_244 = vector.shape_cast %get3A_243 : vector<1x16xf32> to vector<16xf32>
          %get3A_245 = arith.index_cast %scan3A_174 : i32 to index
          %get3A_246 = arith.constant 64 : index
          %get3A_247 = tpu.vector_load %arg13[%get3A_245, %get3A_246] {strides = array<i32>} : memref<80x128xf32, #tpu.memory_space<vmem>>, vector<1x16xf32>,
          %get3A_248 = vector.shape_cast %get3A_247 : vector<1x16xf32> to vector<16xf32>
          %add3A_249 = arith.addf %get3A_244, %get3A_248 : vector<16xf32>
          %max3A_250 = arith.constant 0.000000e+00 : f32
          %max3A_251 = vector.broadcast %max3A_250 : f32 to vector<16xf32>
          %max3A_252 = arith.maximumf %add3A_249, %max3A_251 : vector<16xf32>
          %swap3A_253 = arith.index_cast %scan3A_174 : i32 to index
          %swap3A_254 = arith.constant 64 : index
          %swap3A_255 = tpu.vector_load %arg11[%swap3A_253, %swap3A_254] {strides = array<i32>} : memref<80x128xf32, #tpu.memory_space<vmem>>, vector<1x16xf32>,
          %swap3A_256 = vector.shape_cast %swap3A_255 : vector<1x16xf32> to vector<16xf32>
          %swap3A_257 = vector.shape_cast %max3A_252 : vector<16xf32> to vector<1x16xf32>
          tpu.vector_store %arg11[%swap3A_253, %swap3A_254], %swap3A_257 {strides = array<i32>} : memref<80x128xf32, #tpu.memory_space<vmem>>, vector<1x16xf32>,
          %get3A_258 = arith.index_cast %scan3A_174 : i32 to index
          %get3A_259 = arith.constant 80 : index
          %get3A_260 = tpu.vector_load %arg11[%get3A_258, %get3A_259] {strides = array<i32>} : memref<80x128xf32, #tpu.memory_space<vmem>>, vector<1x16xf32>,
          %get3A_261 = vector.shape_cast %get3A_260 : vector<1x16xf32> to vector<16xf32>
          %get3A_262 = arith.index_cast %scan3A_174 : i32 to index
          %get3A_263 = arith.constant 80 : index
          %get3A_264 = tpu.vector_load %arg13[%get3A_262, %get3A_263] {strides = array<i32>} : memref<80x128xf32, #tpu.memory_space<vmem>>, vector<1x16xf32>,
          %get3A_265 = vector.shape_cast %get3A_264 : vector<1x16xf32> to vector<16xf32>
          %add3A_266 = arith.addf %get3A_261, %get3A_265 : vector<16xf32>
          %max3A_267 = arith.constant 0.000000e+00 : f32
          %max3A_268 = vector.broadcast %max3A_267 : f32 to vector<16xf32>
          %max3A_269 = arith.maximumf %add3A_266, %max3A_268 : vector<16xf32>
          %swap3A_270 = arith.index_cast %scan3A_174 : i32 to index
          %swap3A_271 = arith.constant 80 : index
          %swap3A_272 = tpu.vector_load %arg11[%swap3A_270, %swap3A_271] {strides = array<i32>} : memref<80x128xf32, #tpu.memory_space<vmem>>, vector<1x16xf32>,
          %swap3A_273 = vector.shape_cast %swap3A_272 : vector<1x16xf32> to vector<16xf32>
          %swap3A_274 = vector.shape_cast %max3A_269 : vector<16xf32> to vector<1x16xf32>
          tpu.vector_store %arg11[%swap3A_270, %swap3A_271], %swap3A_274 {strides = array<i32>} : memref<80x128xf32, #tpu.memory_space<vmem>>, vector<1x16xf32>,
          %get3A_275 = arith.index_cast %scan3A_174 : i32 to index
          %get3A_276 = arith.constant 96 : index
          %get3A_277 = tpu.vector_load %arg11[%get3A_275, %get3A_276] {strides = array<i32>} : memref<80x128xf32, #tpu.memory_space<vmem>>, vector<1x16xf32>,
          %get3A_278 = vector.shape_cast %get3A_277 : vector<1x16xf32> to vector<16xf32>
          %get3A_279 = arith.index_cast %scan3A_174 : i32 to index
          %get3A_280 = arith.constant 96 : index
          %get3A_281 = tpu.vector_load %arg13[%get3A_279, %get3A_280] {strides = array<i32>} : memref<80x128xf32, #tpu.memory_space<vmem>>, vector<1x16xf32>,
          %get3A_282 = vector.shape_cast %get3A_281 : vector<1x16xf32> to vector<16xf32>
          %add3A_283 = arith.addf %get3A_278, %get3A_282 : vector<16xf32>
          %max3A_284 = arith.constant 0.000000e+00 : f32
          %max3A_285 = vector.broadcast %max3A_284 : f32 to vector<16xf32>
          %max3A_286 = arith.maximumf %add3A_283, %max3A_285 : vector<16xf32>
          %swap3A_287 = arith.index_cast %scan3A_174 : i32 to index
          %swap3A_288 = arith.constant 96 : index
          %swap3A_289 = tpu.vector_load %arg11[%swap3A_287, %swap3A_288] {strides = array<i32>} : memref<80x128xf32, #tpu.memory_space<vmem>>, vector<1x16xf32>,
          %swap3A_290 = vector.shape_cast %swap3A_289 : vector<1x16xf32> to vector<16xf32>
          %swap3A_291 = vector.shape_cast %max3A_286 : vector<16xf32> to vector<1x16xf32>
          tpu.vector_store %arg11[%swap3A_287, %swap3A_288], %swap3A_291 {strides = array<i32>} : memref<80x128xf32, #tpu.memory_space<vmem>>, vector<1x16xf32>,
          %get3A_292 = arith.index_cast %scan3A_174 : i32 to index
          %get3A_293 = arith.constant 112 : index
          %get3A_294 = tpu.vector_load %arg11[%get3A_292, %get3A_293] {strides = array<i32>} : memref<80x128xf32, #tpu.memory_space<vmem>>, vector<1x16xf32>,
          %get3A_295 = vector.shape_cast %get3A_294 : vector<1x16xf32> to vector<16xf32>
          %get3A_296 = arith.index_cast %scan3A_174 : i32 to index
          %get3A_297 = arith.constant 112 : index
          %get3A_298 = tpu.vector_load %arg13[%get3A_296, %get3A_297] {strides = array<i32>} : memref<80x128xf32, #tpu.memory_space<vmem>>, vector<1x16xf32>,
          %get3A_299 = vector.shape_cast %get3A_298 : vector<1x16xf32> to vector<16xf32>
          %add3A_300 = arith.addf %get3A_295, %get3A_299 : vector<16xf32>
          %max3A_301 = arith.constant 0.000000e+00 : f32
          %max3A_302 = vector.broadcast %max3A_301 : f32 to vector<16xf32>
          %max3A_303 = arith.maximumf %add3A_300, %max3A_302 : vector<16xf32>
          %swap3A_304 = arith.index_cast %scan3A_174 : i32 to index
          %swap3A_305 = arith.constant 112 : index
          %swap3A_306 = tpu.vector_load %arg11[%swap3A_304, %swap3A_305] {strides = array<i32>} : memref<80x128xf32, #tpu.memory_space<vmem>>, vector<1x16xf32>,
          %swap3A_307 = vector.shape_cast %swap3A_306 : vector<1x16xf32> to vector<16xf32>
          %swap3A_308 = vector.shape_cast %max3A_303 : vector<16xf32> to vector<1x16xf32>
          tpu.vector_store %arg11[%swap3A_304, %swap3A_305], %swap3A_308 {strides = array<i32>} : memref<80x128xf32, #tpu.memory_space<vmem>>, vector<1x16xf32>,
          %scan3A_309 = arith.constant 0 : i32
          scf.yield %scan3A_309 : i32
        }
        %scan3A_165 = arith.constant 80 : i32
        "tpu.region"() ({
          %run_scoped3A = tpu.sem_alloc : memref<!tpu.dma_semaphore, #tpu.memory_space<semaphore_mem>>
          %dma_start3A_174 = arith.constant 0 : i32
          %dma_start3A_175 = arith.constant 0 : i32
          %dma_start3A_176 = tpu.memref_slice %arg14[%dma_start3A_174, %dma_start3A_175] : memref<10000x128xf32, #tpu.memory_space<vmem_shared>> -> memref<10000x128xf32, #tpu.memory_space<vmem_shared>>
          tpu.enqueue_indirect_dma source(%arg11 : memref<80x128xf32, #tpu.memory_space<vmem>>) target(%dma_start3A_176 : memref<10000x128xf32, #tpu.memory_space<vmem_shared>>) offsets(%arg9 : memref<80xi32, #tpu.memory_space<vmem>>) semaphore(%run_scoped3A : memref<!tpu.dma_semaphore, #tpu.memory_space<semaphore_mem>>) {add = true}
          %dma_wait3A_177 = arith.constant 0 : i32
          %dma_wait3A_178 = arith.constant 0 : i32
          %dma_wait3A_179 = tpu.memref_slice %arg14[%dma_wait3A_177, %dma_wait3A_178] : memref<10000x128xf32, #tpu.memory_space<vmem_shared>> -> memref<10000x128xf32, #tpu.memory_space<vmem_shared>>
          tpu.wait_indirect_dma semaphore(%run_scoped3A : memref<!tpu.dma_semaphore, #tpu.memory_space<semaphore_mem>>) src(%arg11 : memref<80x128xf32, #tpu.memory_space<vmem>>) dst(%dma_wait3A_179 : memref<10000x128xf32, #tpu.memory_space<vmem_shared>>)
          tpu.yield
        }) : () -> ()
        %add3A_166 = arith.constant 2 : i32
        %add3A_167 = arith.addi %add3A_134, %add3A_166 : i32
        %lt3A_168 = arith.constant 25 : i32
        %lt3A_169 = arith.cmpi slt, %add3A_167, %lt3A_168 : i32
        %convert_element_type3A_170 = arith.extui %lt3A_169 : i1 to i32
        %cond3A_171 = arith.constant 0 : i32
        %cond3A_172 = arith.cmpi ne, %convert_element_type3A_170, %cond3A_171 : i32
        scf.if %cond3A_172 {
          %add3A_174 = arith.constant 2 : i32
          %add3A_175 = arith.addi %add3A_134, %add3A_174 : i32
          %mul3A_176 = arith.constant 80 : i32
          %mul3A_177 = arith.muli %add3A_175, %mul3A_176 : i32
          %dma_start3A_178 = tpu.memref_slice %arg7[%mul3A_177] : memref<2000xi32, #tpu.memory_space<vmem>> -> memref<80xi32, #tpu.memory_space<vmem>>
          %dma_start3A_179 = arith.constant 0 : i32
          %dma_start3A_180 = arith.constant 0 : i32
          %dma_start3A_181 = tpu.memref_slice %arg2[%dma_start3A_179, %dma_start3A_180] : memref<10000x128xf32, #tpu.memory_space<hbm>> -> memref<10000x128xf32, #tpu.memory_space<hbm>>
          tpu.enqueue_indirect_dma source(%dma_start3A_181 : memref<10000x128xf32, #tpu.memory_space<hbm>>) target(%arg11 : memref<80x128xf32, #tpu.memory_space<vmem>>) offsets(%dma_start3A_178 : memref<80xi32, #tpu.memory_space<vmem>>) semaphore(%arg16 : memref<!tpu.dma_semaphore, #tpu.memory_space<semaphore_mem>>)
          %mul3A_182 = arith.constant 25 : i32
          %mul3A_183 = arith.muli %scan3A_46, %mul3A_182 : i32
          %add3A_184 = arith.addi %mul3A_183, %add3A_175 : i32
          %mul3A_185 = arith.constant 80 : i32
          %mul3A_186 = arith.muli %add3A_184, %mul3A_185 : i32
          %add3A_187 = arith.addi %mul3A_2, %mul3A_186 : i32
          %dma_start3A_188 = tpu.memref_slice %arg5[%add3A_187] : memref<320000xi32, #tpu.memory_space<hbm>> -> memref<80xi32, #tpu.memory_space<hbm>>
          %dma_start3A_189 = tpu.memref_slice %arg5[%add3A_187] : memref<320000xi32, #tpu.memory_space<hbm>> -> memref<80xi32, #tpu.memory_space<hbm>>
          tpu.enqueue_dma source(%dma_start3A_189 : memref<80xi32, #tpu.memory_space<hbm>>) target(%arg9 : memref<80xi32, #tpu.memory_space<vmem>>) target_semaphore(%arg20 : memref<!tpu.dma_semaphore, #tpu.memory_space<semaphore_mem>>)
          %mul3A_190 = arith.constant 25 : i32
          %mul3A_191 = arith.muli %scan3A_46, %mul3A_190 : i32
          %add3A_192 = arith.addi %mul3A_191, %add3A_175 : i32
          %mul3A_193 = arith.constant 80 : i32
          %mul3A_194 = arith.muli %add3A_192, %mul3A_193 : i32
          %add3A_195 = arith.addi %mul3A_2, %mul3A_194 : i32
          %dma_start3A_196 = arith.constant 0 : i32
          %dma_start3A_197 = tpu.memref_slice %arg3[%add3A_195, %dma_start3A_196] : memref<320000x128xf32, #tpu.memory_space<hbm>> -> memref<80x128xf32, #tpu.memory_space<hbm>>
          %dma_start3A_198 = arith.constant 0 : i32
          %dma_start3A_199 = tpu.memref_slice %arg3[%add3A_195, %dma_start3A_198] : memref<320000x128xf32, #tpu.memory_space<hbm>> -> memref<80x128xf32, #tpu.memory_space<hbm>>
          tpu.enqueue_dma source(%dma_start3A_199 : memref<80x128xf32, #tpu.memory_space<hbm>>) target(%arg13 : memref<80x128xf32, #tpu.memory_space<vmem>>) target_semaphore(%arg18 : memref<!tpu.dma_semaphore, #tpu.memory_space<semaphore_mem>>)
        } else {
        }
        %scan3A_173 = arith.constant 0 : i32
        scf.yield %scan3A_173 : i32
      }
      %scan3A_58 = arith.constant 12 : i32
      %dma_wait3A = arith.constant 1920 : i32
      %dma_wait3A_59 = tpu.memref_slice %arg7[%dma_wait3A] : memref<2000xi32, #tpu.memory_space<vmem>> -> memref<80xi32, #tpu.memory_space<vmem>>
      %dma_wait3A_60 = arith.constant 0 : i32
      %dma_wait3A_61 = arith.constant 0 : i32
      %dma_wait3A_62 = tpu.memref_slice %arg2[%dma_wait3A_60, %dma_wait3A_61] : memref<10000x128xf32, #tpu.memory_space<hbm>> -> memref<10000x128xf32, #tpu.memory_space<hbm>>
      tpu.wait_indirect_dma semaphore(%arg15 : memref<!tpu.dma_semaphore, #tpu.memory_space<semaphore_mem>>) src(%dma_wait3A_62 : memref<10000x128xf32, #tpu.memory_space<hbm>>) dst(%arg10 : memref<80x128xf32, #tpu.memory_space<vmem>>)
      %mul3A_63 = arith.constant 25 : i32
      %mul3A_64 = arith.muli %scan3A_46, %mul3A_63 : i32
      %add3A_65 = arith.constant 24 : i32
      %add3A_66 = arith.addi %mul3A_64, %add3A_65 : i32
      %mul3A_67 = arith.constant 80 : i32
      %mul3A_68 = arith.muli %add3A_66, %mul3A_67 : i32
      %add3A_69 = arith.addi %mul3A_2, %mul3A_68 : i32
      %dma_wait3A_70 = arith.constant 0 : i32
      %dma_wait3A_71 = tpu.memref_slice %arg3[%add3A_69, %dma_wait3A_70] : memref<320000x128xf32, #tpu.memory_space<hbm>> -> memref<80x128xf32, #tpu.memory_space<hbm>>
      %dma_wait3A_72 = arith.constant 0 : i32
      %dma_wait3A_73 = tpu.memref_slice %arg3[%add3A_69, %dma_wait3A_72] : memref<320000x128xf32, #tpu.memory_space<hbm>> -> memref<80x128xf32, #tpu.memory_space<hbm>>
      tpu.wait_dma2 semaphore(%arg17 : memref<!tpu.dma_semaphore, #tpu.memory_space<semaphore_mem>>) src(%dma_wait3A_73 : memref<80x128xf32, #tpu.memory_space<hbm>>) dst(%arg12 : memref<80x128xf32, #tpu.memory_space<vmem>>)
      %mul3A_74 = arith.constant 25 : i32
      %mul3A_75 = arith.muli %scan3A_46, %mul3A_74 : i32
      %add3A_76 = arith.constant 24 : i32
      %add3A_77 = arith.addi %mul3A_75, %add3A_76 : i32
      %mul3A_78 = arith.constant 80 : i32
      %mul3A_79 = arith.muli %add3A_77, %mul3A_78 : i32
      %add3A_80 = arith.addi %mul3A_2, %mul3A_79 : i32
      %dma_wait3A_81 = tpu.memref_slice %arg5[%add3A_80] : memref<320000xi32, #tpu.memory_space<hbm>> -> memref<80xi32, #tpu.memory_space<hbm>>
      %dma_wait3A_82 = tpu.memref_slice %arg5[%add3A_80] : memref<320000xi32, #tpu.memory_space<hbm>> -> memref<80xi32, #tpu.memory_space<hbm>>
      tpu.wait_dma2 semaphore(%arg19 : memref<!tpu.dma_semaphore, #tpu.memory_space<semaphore_mem>>) src(%dma_wait3A_82 : memref<80xi32, #tpu.memory_space<hbm>>) dst(%arg8 : memref<80xi32, #tpu.memory_space<vmem>>)
      %scan3A_83 = arith.constant 0 : i32
      %scan3A_84 = arith.constant 0 : i32
      %scan3A_85 = arith.constant 80 : i32
      %scan3A_86 = arith.addi %scan3A_84, %scan3A_85 : i32
      %scan3A_87 = arith.constant 1 : i32
      %scan3A_88 = scf.for %scan3A_91 = %scan3A_84 to %scan3A_86 step %scan3A_87 iter_args(%scan3A_92 = %scan3A_83) -> (i32)  : i32 {
        %get3A = arith.index_cast %scan3A_91 : i32 to index
        %get3A_93 = arith.constant 0 : index
        %get3A_94 = tpu.vector_load %arg10[%get3A, %get3A_93] {strides = array<i32>} : memref<80x128xf32, #tpu.memory_space<vmem>>, vector<1x16xf32>,
        %get3A_95 = vector.shape_cast %get3A_94 : vector<1x16xf32> to vector<16xf32>
        %get3A_96 = arith.index_cast %scan3A_91 : i32 to index
        %get3A_97 = arith.constant 0 : index
        %get3A_98 = tpu.vector_load %arg12[%get3A_96, %get3A_97] {strides = array<i32>} : memref<80x128xf32, #tpu.memory_space<vmem>>, vector<1x16xf32>,
        %get3A_99 = vector.shape_cast %get3A_98 : vector<1x16xf32> to vector<16xf32>
        %add3A_100 = arith.addf %get3A_95, %get3A_99 : vector<16xf32>
        %max3A = arith.constant 0.000000e+00 : f32
        %max3A_101 = vector.broadcast %max3A : f32 to vector<16xf32>
        %max3A_102 = arith.maximumf %add3A_100, %max3A_101 : vector<16xf32>
        %swap3A = arith.index_cast %scan3A_91 : i32 to index
        %swap3A_103 = arith.constant 0 : index
        %swap3A_104 = tpu.vector_load %arg10[%swap3A, %swap3A_103] {strides = array<i32>} : memref<80x128xf32, #tpu.memory_space<vmem>>, vector<1x16xf32>,
        %swap3A_105 = vector.shape_cast %swap3A_104 : vector<1x16xf32> to vector<16xf32>
        %swap3A_106 = vector.shape_cast %max3A_102 : vector<16xf32> to vector<1x16xf32>
        tpu.vector_store %arg10[%swap3A, %swap3A_103], %swap3A_106 {strides = array<i32>} : memref<80x128xf32, #tpu.memory_space<vmem>>, vector<1x16xf32>,
        %get3A_107 = arith.index_cast %scan3A_91 : i32 to index
        %get3A_108 = arith.constant 16 : index
        %get3A_109 = tpu.vector_load %arg10[%get3A_107, %get3A_108] {strides = array<i32>} : memref<80x128xf32, #tpu.memory_space<vmem>>, vector<1x16xf32>,
        %get3A_110 = vector.shape_cast %get3A_109 : vector<1x16xf32> to vector<16xf32>
        %get3A_111 = arith.index_cast %scan3A_91 : i32 to index
        %get3A_112 = arith.constant 16 : index
        %get3A_113 = tpu.vector_load %arg12[%get3A_111, %get3A_112] {strides = array<i32>} : memref<80x128xf32, #tpu.memory_space<vmem>>, vector<1x16xf32>,
        %get3A_114 = vector.shape_cast %get3A_113 : vector<1x16xf32> to vector<16xf32>
        %add3A_115 = arith.addf %get3A_110, %get3A_114 : vector<16xf32>
        %max3A_116 = arith.constant 0.000000e+00 : f32
        %max3A_117 = vector.broadcast %max3A_116 : f32 to vector<16xf32>
        %max3A_118 = arith.maximumf %add3A_115, %max3A_117 : vector<16xf32>
        %swap3A_119 = arith.index_cast %scan3A_91 : i32 to index
        %swap3A_120 = arith.constant 16 : index
        %swap3A_121 = tpu.vector_load %arg10[%swap3A_119, %swap3A_120] {strides = array<i32>} : memref<80x128xf32, #tpu.memory_space<vmem>>, vector<1x16xf32>,
        %swap3A_122 = vector.shape_cast %swap3A_121 : vector<1x16xf32> to vector<16xf32>
        %swap3A_123 = vector.shape_cast %max3A_118 : vector<16xf32> to vector<1x16xf32>
        tpu.vector_store %arg10[%swap3A_119, %swap3A_120], %swap3A_123 {strides = array<i32>} : memref<80x128xf32, #tpu.memory_space<vmem>>, vector<1x16xf32>,
        %get3A_124 = arith.index_cast %scan3A_91 : i32 to index
        %get3A_125 = arith.constant 32 : index
        %get3A_126 = tpu.vector_load %arg10[%get3A_124, %get3A_125] {strides = array<i32>} : memref<80x128xf32, #tpu.memory_space<vmem>>, vector<1x16xf32>,
        %get3A_127 = vector.shape_cast %get3A_126 : vector<1x16xf32> to vector<16xf32>
        %get3A_128 = arith.index_cast %scan3A_91 : i32 to index
        %get3A_129 = arith.constant 32 : index
        %get3A_130 = tpu.vector_load %arg12[%get3A_128, %get3A_129] {strides = array<i32>} : memref<80x128xf32, #tpu.memory_space<vmem>>, vector<1x16xf32>,
        %get3A_131 = vector.shape_cast %get3A_130 : vector<1x16xf32> to vector<16xf32>
        %add3A_132 = arith.addf %get3A_127, %get3A_131 : vector<16xf32>
        %max3A_133 = arith.constant 0.000000e+00 : f32
        %max3A_134 = vector.broadcast %max3A_133 : f32 to vector<16xf32>
        %max3A_135 = arith.maximumf %add3A_132, %max3A_134 : vector<16xf32>
        %swap3A_136 = arith.index_cast %scan3A_91 : i32 to index
        %swap3A_137 = arith.constant 32 : index
        %swap3A_138 = tpu.vector_load %arg10[%swap3A_136, %swap3A_137] {strides = array<i32>} : memref<80x128xf32, #tpu.memory_space<vmem>>, vector<1x16xf32>,
        %swap3A_139 = vector.shape_cast %swap3A_138 : vector<1x16xf32> to vector<16xf32>
        %swap3A_140 = vector.shape_cast %max3A_135 : vector<16xf32> to vector<1x16xf32>
        tpu.vector_store %arg10[%swap3A_136, %swap3A_137], %swap3A_140 {strides = array<i32>} : memref<80x128xf32, #tpu.memory_space<vmem>>, vector<1x16xf32>,
        %get3A_141 = arith.index_cast %scan3A_91 : i32 to index
        %get3A_142 = arith.constant 48 : index
        %get3A_143 = tpu.vector_load %arg10[%get3A_141, %get3A_142] {strides = array<i32>} : memref<80x128xf32, #tpu.memory_space<vmem>>, vector<1x16xf32>,
        %get3A_144 = vector.shape_cast %get3A_143 : vector<1x16xf32> to vector<16xf32>
        %get3A_145 = arith.index_cast %scan3A_91 : i32 to index
        %get3A_146 = arith.constant 48 : index
        %get3A_147 = tpu.vector_load %arg12[%get3A_145, %get3A_146] {strides = array<i32>} : memref<80x128xf32, #tpu.memory_space<vmem>>, vector<1x16xf32>,
        %get3A_148 = vector.shape_cast %get3A_147 : vector<1x16xf32> to vector<16xf32>
        %add3A_149 = arith.addf %get3A_144, %get3A_148 : vector<16xf32>
        %max3A_150 = arith.constant 0.000000e+00 : f32
        %max3A_151 = vector.broadcast %max3A_150 : f32 to vector<16xf32>
        %max3A_152 = arith.maximumf %add3A_149, %max3A_151 : vector<16xf32>
        %swap3A_153 = arith.index_cast %scan3A_91 : i32 to index
        %swap3A_154 = arith.constant 48 : index
        %swap3A_155 = tpu.vector_load %arg10[%swap3A_153, %swap3A_154] {strides = array<i32>} : memref<80x128xf32, #tpu.memory_space<vmem>>, vector<1x16xf32>,
        %swap3A_156 = vector.shape_cast %swap3A_155 : vector<1x16xf32> to vector<16xf32>
        %swap3A_157 = vector.shape_cast %max3A_152 : vector<16xf32> to vector<1x16xf32>
        tpu.vector_store %arg10[%swap3A_153, %swap3A_154], %swap3A_157 {strides = array<i32>} : memref<80x128xf32, #tpu.memory_space<vmem>>, vector<1x16xf32>,
        %get3A_158 = arith.index_cast %scan3A_91 : i32 to index
        %get3A_159 = arith.constant 64 : index
        %get3A_160 = tpu.vector_load %arg10[%get3A_158, %get3A_159] {strides = array<i32>} : memref<80x128xf32, #tpu.memory_space<vmem>>, vector<1x16xf32>,
        %get3A_161 = vector.shape_cast %get3A_160 : vector<1x16xf32> to vector<16xf32>
        %get3A_162 = arith.index_cast %scan3A_91 : i32 to index
        %get3A_163 = arith.constant 64 : index
        %get3A_164 = tpu.vector_load %arg12[%get3A_162, %get3A_163] {strides = array<i32>} : memref<80x128xf32, #tpu.memory_space<vmem>>, vector<1x16xf32>,
        %get3A_165 = vector.shape_cast %get3A_164 : vector<1x16xf32> to vector<16xf32>
        %add3A_166 = arith.addf %get3A_161, %get3A_165 : vector<16xf32>
        %max3A_167 = arith.constant 0.000000e+00 : f32
        %max3A_168 = vector.broadcast %max3A_167 : f32 to vector<16xf32>
        %max3A_169 = arith.maximumf %add3A_166, %max3A_168 : vector<16xf32>
        %swap3A_170 = arith.index_cast %scan3A_91 : i32 to index
        %swap3A_171 = arith.constant 64 : index
        %swap3A_172 = tpu.vector_load %arg10[%swap3A_170, %swap3A_171] {strides = array<i32>} : memref<80x128xf32, #tpu.memory_space<vmem>>, vector<1x16xf32>,
        %swap3A_173 = vector.shape_cast %swap3A_172 : vector<1x16xf32> to vector<16xf32>
        %swap3A_174 = vector.shape_cast %max3A_169 : vector<16xf32> to vector<1x16xf32>
        tpu.vector_store %arg10[%swap3A_170, %swap3A_171], %swap3A_174 {strides = array<i32>} : memref<80x128xf32, #tpu.memory_space<vmem>>, vector<1x16xf32>,
        %get3A_175 = arith.index_cast %scan3A_91 : i32 to index
        %get3A_176 = arith.constant 80 : index
        %get3A_177 = tpu.vector_load %arg10[%get3A_175, %get3A_176] {strides = array<i32>} : memref<80x128xf32, #tpu.memory_space<vmem>>, vector<1x16xf32>,
        %get3A_178 = vector.shape_cast %get3A_177 : vector<1x16xf32> to vector<16xf32>
        %get3A_179 = arith.index_cast %scan3A_91 : i32 to index
        %get3A_180 = arith.constant 80 : index
        %get3A_181 = tpu.vector_load %arg12[%get3A_179, %get3A_180] {strides = array<i32>} : memref<80x128xf32, #tpu.memory_space<vmem>>, vector<1x16xf32>,
        %get3A_182 = vector.shape_cast %get3A_181 : vector<1x16xf32> to vector<16xf32>
        %add3A_183 = arith.addf %get3A_178, %get3A_182 : vector<16xf32>
        %max3A_184 = arith.constant 0.000000e+00 : f32
        %max3A_185 = vector.broadcast %max3A_184 : f32 to vector<16xf32>
        %max3A_186 = arith.maximumf %add3A_183, %max3A_185 : vector<16xf32>
        %swap3A_187 = arith.index_cast %scan3A_91 : i32 to index
        %swap3A_188 = arith.constant 80 : index
        %swap3A_189 = tpu.vector_load %arg10[%swap3A_187, %swap3A_188] {strides = array<i32>} : memref<80x128xf32, #tpu.memory_space<vmem>>, vector<1x16xf32>,
        %swap3A_190 = vector.shape_cast %swap3A_189 : vector<1x16xf32> to vector<16xf32>
        %swap3A_191 = vector.shape_cast %max3A_186 : vector<16xf32> to vector<1x16xf32>
        tpu.vector_store %arg10[%swap3A_187, %swap3A_188], %swap3A_191 {strides = array<i32>} : memref<80x128xf32, #tpu.memory_space<vmem>>, vector<1x16xf32>,
        %get3A_192 = arith.index_cast %scan3A_91 : i32 to index
        %get3A_193 = arith.constant 96 : index
        %get3A_194 = tpu.vector_load %arg10[%get3A_192, %get3A_193] {strides = array<i32>} : memref<80x128xf32, #tpu.memory_space<vmem>>, vector<1x16xf32>,
        %get3A_195 = vector.shape_cast %get3A_194 : vector<1x16xf32> to vector<16xf32>
        %get3A_196 = arith.index_cast %scan3A_91 : i32 to index
        %get3A_197 = arith.constant 96 : index
        %get3A_198 = tpu.vector_load %arg12[%get3A_196, %get3A_197] {strides = array<i32>} : memref<80x128xf32, #tpu.memory_space<vmem>>, vector<1x16xf32>,
        %get3A_199 = vector.shape_cast %get3A_198 : vector<1x16xf32> to vector<16xf32>
        %add3A_200 = arith.addf %get3A_195, %get3A_199 : vector<16xf32>
        %max3A_201 = arith.constant 0.000000e+00 : f32
        %max3A_202 = vector.broadcast %max3A_201 : f32 to vector<16xf32>
        %max3A_203 = arith.maximumf %add3A_200, %max3A_202 : vector<16xf32>
        %swap3A_204 = arith.index_cast %scan3A_91 : i32 to index
        %swap3A_205 = arith.constant 96 : index
        %swap3A_206 = tpu.vector_load %arg10[%swap3A_204, %swap3A_205] {strides = array<i32>} : memref<80x128xf32, #tpu.memory_space<vmem>>, vector<1x16xf32>,
        %swap3A_207 = vector.shape_cast %swap3A_206 : vector<1x16xf32> to vector<16xf32>
        %swap3A_208 = vector.shape_cast %max3A_203 : vector<16xf32> to vector<1x16xf32>
        tpu.vector_store %arg10[%swap3A_204, %swap3A_205], %swap3A_208 {strides = array<i32>} : memref<80x128xf32, #tpu.memory_space<vmem>>, vector<1x16xf32>,
        %get3A_209 = arith.index_cast %scan3A_91 : i32 to index
        %get3A_210 = arith.constant 112 : index
        %get3A_211 = tpu.vector_load %arg10[%get3A_209, %get3A_210] {strides = array<i32>} : memref<80x128xf32, #tpu.memory_space<vmem>>, vector<1x16xf32>,
        %get3A_212 = vector.shape_cast %get3A_211 : vector<1x16xf32> to vector<16xf32>
        %get3A_213 = arith.index_cast %scan3A_91 : i32 to index
        %get3A_214 = arith.constant 112 : index
        %get3A_215 = tpu.vector_load %arg12[%get3A_213, %get3A_214] {strides = array<i32>} : memref<80x128xf32, #tpu.memory_space<vmem>>, vector<1x16xf32>,
        %get3A_216 = vector.shape_cast %get3A_215 : vector<1x16xf32> to vector<16xf32>
        %add3A_217 = arith.addf %get3A_212, %get3A_216 : vector<16xf32>
        %max3A_218 = arith.constant 0.000000e+00 : f32
        %max3A_219 = vector.broadcast %max3A_218 : f32 to vector<16xf32>
        %max3A_220 = arith.maximumf %add3A_217, %max3A_219 : vector<16xf32>
        %swap3A_221 = arith.index_cast %scan3A_91 : i32 to index
        %swap3A_222 = arith.constant 112 : index
        %swap3A_223 = tpu.vector_load %arg10[%swap3A_221, %swap3A_222] {strides = array<i32>} : memref<80x128xf32, #tpu.memory_space<vmem>>, vector<1x16xf32>,
        %swap3A_224 = vector.shape_cast %swap3A_223 : vector<1x16xf32> to vector<16xf32>
        %swap3A_225 = vector.shape_cast %max3A_220 : vector<16xf32> to vector<1x16xf32>
        tpu.vector_store %arg10[%swap3A_221, %swap3A_222], %swap3A_225 {strides = array<i32>} : memref<80x128xf32, #tpu.memory_space<vmem>>, vector<1x16xf32>,
        %scan3A_226 = arith.constant 0 : i32
        scf.yield %scan3A_226 : i32
      }
      %scan3A_89 = arith.constant 80 : i32
      "tpu.region"() ({
        %run_scoped3A = tpu.sem_alloc : memref<!tpu.dma_semaphore, #tpu.memory_space<semaphore_mem>>
        %dma_start3A_91 = arith.constant 0 : i32
        %dma_start3A_92 = arith.constant 0 : i32
        %dma_start3A_93 = tpu.memref_slice %arg14[%dma_start3A_91, %dma_start3A_92] : memref<10000x128xf32, #tpu.memory_space<vmem_shared>> -> memref<10000x128xf32, #tpu.memory_space<vmem_shared>>
        tpu.enqueue_indirect_dma source(%arg10 : memref<80x128xf32, #tpu.memory_space<vmem>>) target(%dma_start3A_93 : memref<10000x128xf32, #tpu.memory_space<vmem_shared>>) offsets(%arg8 : memref<80xi32, #tpu.memory_space<vmem>>) semaphore(%run_scoped3A : memref<!tpu.dma_semaphore, #tpu.memory_space<semaphore_mem>>) {add = true}
        %dma_wait3A_94 = arith.constant 0 : i32
        %dma_wait3A_95 = arith.constant 0 : i32
        %dma_wait3A_96 = tpu.memref_slice %arg14[%dma_wait3A_94, %dma_wait3A_95] : memref<10000x128xf32, #tpu.memory_space<vmem_shared>> -> memref<10000x128xf32, #tpu.memory_space<vmem_shared>>
        tpu.wait_indirect_dma semaphore(%run_scoped3A : memref<!tpu.dma_semaphore, #tpu.memory_space<semaphore_mem>>) src(%arg10 : memref<80x128xf32, #tpu.memory_space<vmem>>) dst(%dma_wait3A_96 : memref<10000x128xf32, #tpu.memory_space<vmem_shared>>)
        tpu.yield
      }) : () -> ()
      %scan3A_90 = arith.constant 0 : i32
      scf.yield %scan3A_90 : i32
    }
    %scan3A_39 = arith.constant 5 : i32
    %barrier3A_40 = arith.constant 0 : index
    tpu.barrier barrier_id(%barrier3A_40)
    %lt3A_41 = arith.constant 10 : i32
    %lt3A_42 = arith.cmpi slt, %arg1, %lt3A_41 : i32
    %convert_element_type3A_43 = arith.extui %lt3A_42 : i1 to i32
    %cond3A_44 = arith.constant 0 : i32
    %cond3A_45 = arith.cmpi ne, %convert_element_type3A_43, %cond3A_44 : i32
    scf.if %cond3A_45 {
      %mul3A_46 = arith.constant 1000 : i32
      %mul3A_47 = arith.muli %arg1, %mul3A_46 : i32
      %mul3A_48 = arith.constant 1000 : i32
      %mul3A_49 = arith.muli %arg1, %mul3A_48 : i32
      "tpu.region"() ({
        %run_scoped3A = tpu.sem_alloc : memref<!tpu.dma_semaphore, #tpu.memory_space<semaphore_mem>>
        %dma_start3A_50 = arith.constant 0 : i32
        %dma_start3A_51 = tpu.memref_slice %arg6[%arg0, %mul3A_49, %dma_start3A_50] : memref<2x10000x128xf32, #tpu.memory_space<hbm>> -> memref<1x1000x128xf32, #tpu.memory_space<hbm>>
        %dma_start3A_52 = tpu.memref_squeeze %dma_start3A_51 : memref<1x1000x128xf32, #tpu.memory_space<hbm>> -> memref<1000x128xf32, #tpu.memory_space<hbm>>
        %dma_start3A_53 = arith.constant 0 : i32
        %dma_start3A_54 = tpu.memref_slice %arg14[%mul3A_47, %dma_start3A_53] : memref<10000x128xf32, #tpu.memory_space<vmem_shared>> -> memref<1000x128xf32, #tpu.memory_space<vmem_shared>>
        tpu.enqueue_dma source(%dma_start3A_54 : memref<1000x128xf32, #tpu.memory_space<vmem_shared>>) target(%dma_start3A_52 : memref<1000x128xf32, #tpu.memory_space<hbm>>) target_semaphore(%run_scoped3A : memref<!tpu.dma_semaphore, #tpu.memory_space<semaphore_mem>>)
        %dma_wait3A = arith.constant 0 : i32
        %dma_wait3A_55 = tpu.memref_slice %arg6[%arg0, %mul3A_49, %dma_wait3A] : memref<2x10000x128xf32, #tpu.memory_space<hbm>> -> memref<1x1000x128xf32, #tpu.memory_space<hbm>>
        %dma_wait3A_56 = tpu.memref_squeeze %dma_wait3A_55 : memref<1x1000x128xf32, #tpu.memory_space<hbm>> -> memref<1000x128xf32, #tpu.memory_space<hbm>>
        %dma_wait3A_57 = arith.constant 0 : i32
        %dma_wait3A_58 = tpu.memref_slice %arg14[%mul3A_47, %dma_wait3A_57] : memref<10000x128xf32, #tpu.memory_space<vmem_shared>> -> memref<1000x128xf32, #tpu.memory_space<vmem_shared>>
        tpu.wait_dma2 semaphore(%run_scoped3A : memref<!tpu.dma_semaphore, #tpu.memory_space<semaphore_mem>>) src(%dma_wait3A_58 : memref<1000x128xf32, #tpu.memory_space<vmem_shared>>) dst(%dma_wait3A_56 : memref<1000x128xf32, #tpu.memory_space<hbm>>)
        tpu.yield
      }) : () -> ()
    } else {
    }
    return
  }
}

module attributes {stable_mosaic.version = 14 : i64} {
  func.func @_p_body(%arg0: i32, %arg1: memref<1000x128xf32, #tpu.memory_space<vmem>>, %arg2: memref<128x128xf32, #tpu.memory_space<vmem>>, %arg3: memref<1000x128xf32, #tpu.memory_space<vmem>>) attributes {dimension_semantics = [#tpu.dimension_semantics<arbitrary>], iteration_bounds = array<i64: 10>, scalar_prefetch = 0 : i64, scratch_operands = 0 : i64, tpu.core_type = #tpu.core_type<tc>, window_params = [{transform_indices = @transform_0, window_bounds = array<i64: 1000, 128>}, {pipeline_mode = #tpu.pipeline_mode<synchronous>, transform_indices = @transform_1, window_bounds = array<i64: 128, 128>}, {transform_indices = @transform_2, window_bounds = array<i64: 1000, 128>}]} {
    %get3A = arith.constant 0 : index
    %get3A_0 = arith.constant 0 : index
    %get3A_1 = vector.load %arg1[%get3A, %get3A_0] : memref<1000x128xf32, #tpu.memory_space<vmem>>, vector<1000x128xf32>
    %get3A_2 = arith.constant 0 : index
    %get3A_3 = arith.constant 0 : index
    %get3A_4 = vector.load %arg2[%get3A_2, %get3A_3] : memref<128x128xf32, #tpu.memory_space<vmem>>, vector<128x128xf32>
    %dot_general3A = arith.constant dense<0.000000e+00> : vector<1000x128xf32>
    %dot_general3A_5 = tpu.matmul %get3A_1, %get3A_4, %dot_general3A {dimension_numbers = #tpu.dot_dimension_numbers<[1], [0], [0], [1], [0, 0, 1, 1], [], []>, transpose_lhs_hint = false} : vector<1000x128xf32>, vector<128x128xf32>, vector<1000x128xf32> -> vector<1000x128xf32>
    %swap3A = arith.constant 0 : index
    %swap3A_6 = arith.constant 0 : index
    %swap3A_7 = vector.load %arg3[%swap3A, %swap3A_6] : memref<1000x128xf32, #tpu.memory_space<vmem>>, vector<1000x128xf32>
    tpu.vector_store %arg3[%swap3A, %swap3A_6], %dot_general3A_5 {strides = array<i32>} : memref<1000x128xf32, #tpu.memory_space<vmem>>, vector<1000x128xf32>,
    return
  }
  func.func @transform_0(%arg0: i32) -> (i32, i32) {
    %c0_i32 = arith.constant 0 : i32
    %c0_i32_0 = arith.constant 0 : i32
    return %arg0, %c0_i32 : i32, i32
  }
  func.func @transform_1(%arg0: i32) -> (i32, i32) {
    %c0_i32 = arith.constant 0 : i32
    %c0_i32_0 = arith.constant 0 : i32
    %c0_i32_1 = arith.constant 0 : i32
    return %c0_i32, %c0_i32_0 : i32, i32
  }
  func.func @transform_2(%arg0: i32) -> (i32, i32) {
    %c0_i32 = arith.constant 0 : i32
    %c0_i32_0 = arith.constant 0 : i32
    return %arg0, %c0_i32 : i32, i32
  }
}

module attributes {stable_mosaic.version = 14 : i64} {
  func.func @_q_body(%arg0: i32, %arg1: memref<16x6400xf32, #tpu.memory_space<vmem>>, %arg2: memref<16x128xf32, #tpu.memory_space<vmem>>, %arg3: memref<1x128xf32, #tpu.memory_space<vmem>>, %arg4: memref<6400x128xf32, #tpu.memory_space<vmem>>) attributes {dimension_semantics = [#tpu.dimension_semantics<arbitrary>], iteration_bounds = array<i64: 50>, scalar_prefetch = 0 : i64, scratch_operands = 0 : i64, tpu.core_type = #tpu.core_type<tc>, window_params = [{transform_indices = @transform_0, window_bounds = array<i64: 16, 6400>}, {pipeline_mode = #tpu.pipeline_mode<synchronous>, transform_indices = @transform_1, window_bounds = array<i64: 16, 128>}, {pipeline_mode = #tpu.pipeline_mode<synchronous>, transform_indices = @transform_2, window_bounds = array<i64: 1, 128>}, {transform_indices = @transform_3, window_bounds = array<i64: 6400, 128>}]} {
    %get3A = arith.constant 0 : index
    %get3A_0 = arith.constant 0 : index
    %get3A_1 = vector.load %arg1[%get3A, %get3A_0] : memref<16x6400xf32, #tpu.memory_space<vmem>>, vector<16x6400xf32>
    %get3A_2 = arith.constant 0 : index
    %get3A_3 = arith.constant 0 : index
    %get3A_4 = vector.load %arg2[%get3A_2, %get3A_3] : memref<16x128xf32, #tpu.memory_space<vmem>>, vector<16x128xf32>
    %dot_general3A = arith.constant dense<0.000000e+00> : vector<6400x128xf32>
    %dot_general3A_5 = tpu.matmul %get3A_1, %get3A_4, %dot_general3A {dimension_numbers = #tpu.dot_dimension_numbers<[0], [0], [1], [1], [0, 1, 1, 1], [], []>, transpose_lhs_hint = false} : vector<16x6400xf32>, vector<16x128xf32>, vector<6400x128xf32> -> vector<6400x128xf32>
    %get3A_6 = arith.constant 0 : index
    %get3A_7 = arith.constant 0 : index
    %get3A_8 = vector.load %arg3[%get3A_6, %get3A_7] : memref<1x128xf32, #tpu.memory_space<vmem>>, vector<1x128xf32>
    %add3A = vector.broadcast %get3A_8 : vector<1x128xf32> to vector<6400x128xf32>
    %add3A_9 = arith.addf %dot_general3A_5, %add3A : vector<6400x128xf32>
    %swap3A = arith.constant 0 : index
    %swap3A_10 = arith.constant 0 : index
    %swap3A_11 = vector.load %arg4[%swap3A, %swap3A_10] : memref<6400x128xf32, #tpu.memory_space<vmem>>, vector<6400x128xf32>
    tpu.vector_store %arg4[%swap3A, %swap3A_10], %add3A_9 {strides = array<i32>} : memref<6400x128xf32, #tpu.memory_space<vmem>>, vector<6400x128xf32>,
    return
  }
  func.func @transform_0(%arg0: i32) -> (i32, i32) {
    %c0_i32 = arith.constant 0 : i32
    %c0_i32_0 = arith.constant 0 : i32
    return %c0_i32, %arg0 : i32, i32
  }
  func.func @transform_1(%arg0: i32) -> (i32, i32) {
    %c0_i32 = arith.constant 0 : i32
    %c0_i32_0 = arith.constant 0 : i32
    %c0_i32_1 = arith.constant 0 : i32
    return %c0_i32, %c0_i32_0 : i32, i32
  }
  func.func @transform_2(%arg0: i32) -> (i32, i32) {
    %c0_i32 = arith.constant 0 : i32
    %c0_i32_0 = arith.constant 0 : i32
    %c0_i32_1 = arith.constant 0 : i32
    return %c0_i32, %c0_i32_0 : i32, i32
  }
  func.func @transform_3(%arg0: i32) -> (i32, i32) {
    %c0_i32 = arith.constant 0 : i32
    %c0_i32_0 = arith.constant 0 : i32
    return %arg0, %c0_i32 : i32, i32
  }
}

module attributes {stable_mosaic.version = 14 : i64} {
  func.func @_apply_body(%arg0: i32, %arg1: memref<1000x128xf32, #tpu.memory_space<vmem>>, %arg2: memref<1000x128xf32, #tpu.memory_space<vmem>>, %arg3: memref<1000x128xf32, #tpu.memory_space<vmem>>, %arg4: memref<128x128xf32, #tpu.memory_space<vmem>>, %arg5: memref<128x128xf32, #tpu.memory_space<vmem>>, %arg6: memref<1x128xf32, #tpu.memory_space<vmem>>, %arg7: memref<1000x128xf32, #tpu.memory_space<vmem>>) attributes {dimension_semantics = [#tpu.dimension_semantics<arbitrary>], iteration_bounds = array<i64: 10>, scalar_prefetch = 0 : i64, scratch_operands = 0 : i64, tpu.core_type = #tpu.core_type<tc>, window_params = [{transform_indices = @transform_0, window_bounds = array<i64: 1000, 128>}, {transform_indices = @transform_1, window_bounds = array<i64: 1000, 128>}, {transform_indices = @transform_2, window_bounds = array<i64: 1000, 128>}, {pipeline_mode = #tpu.pipeline_mode<synchronous>, transform_indices = @transform_3, window_bounds = array<i64: 128, 128>}, {pipeline_mode = #tpu.pipeline_mode<synchronous>, transform_indices = @transform_4, window_bounds = array<i64: 128, 128>}, {pipeline_mode = #tpu.pipeline_mode<synchronous>, transform_indices = @transform_5, window_bounds = array<i64: 1, 128>}, {transform_indices = @transform_6, window_bounds = array<i64: 1000, 128>}]} {
    %get3A = arith.constant 0 : index
    %get3A_0 = arith.constant 0 : index
    %get3A_1 = vector.load %arg1[%get3A, %get3A_0] : memref<1000x128xf32, #tpu.memory_space<vmem>>, vector<1000x128xf32>
    %get3A_2 = arith.constant 0 : index
    %get3A_3 = arith.constant 0 : index
    %get3A_4 = vector.load %arg4[%get3A_2, %get3A_3] : memref<128x128xf32, #tpu.memory_space<vmem>>, vector<128x128xf32>
    %dot_general3A = arith.constant dense<0.000000e+00> : vector<1000x128xf32>
    %dot_general3A_5 = tpu.matmul %get3A_1, %get3A_4, %dot_general3A {dimension_numbers = #tpu.dot_dimension_numbers<[1], [0], [0], [1], [0, 0, 1, 1], [], []>, transpose_lhs_hint = false} : vector<1000x128xf32>, vector<128x128xf32>, vector<1000x128xf32> -> vector<1000x128xf32>
    %get3A_6 = arith.constant 0 : index
    %get3A_7 = arith.constant 0 : index
    %get3A_8 = vector.load %arg2[%get3A_6, %get3A_7] : memref<1000x128xf32, #tpu.memory_space<vmem>>, vector<1000x128xf32>
    %get3A_9 = arith.constant 0 : index
    %get3A_10 = arith.constant 0 : index
    %get3A_11 = vector.load %arg3[%get3A_9, %get3A_10] : memref<1000x128xf32, #tpu.memory_space<vmem>>, vector<1000x128xf32>
    %add3A = arith.addf %get3A_8, %get3A_11 : vector<1000x128xf32>
    %get3A_12 = arith.constant 0 : index
    %get3A_13 = arith.constant 0 : index
    %get3A_14 = vector.load %arg5[%get3A_12, %get3A_13] : memref<128x128xf32, #tpu.memory_space<vmem>>, vector<128x128xf32>
    %dot_general3A_15 = arith.constant dense<0.000000e+00> : vector<1000x128xf32>
    %dot_general3A_16 = tpu.matmul %add3A, %get3A_14, %dot_general3A_15 {dimension_numbers = #tpu.dot_dimension_numbers<[1], [0], [0], [1], [0, 0, 1, 1], [], []>, transpose_lhs_hint = false} : vector<1000x128xf32>, vector<128x128xf32>, vector<1000x128xf32> -> vector<1000x128xf32>
    %add3A_17 = arith.addf %dot_general3A_5, %dot_general3A_16 : vector<1000x128xf32>
    %get3A_18 = arith.constant 0 : index
    %get3A_19 = arith.constant 0 : index
    %get3A_20 = vector.load %arg6[%get3A_18, %get3A_19] : memref<1x128xf32, #tpu.memory_space<vmem>>, vector<1x128xf32>
    %add3A_21 = vector.broadcast %get3A_20 : vector<1x128xf32> to vector<1000x128xf32>
    %add3A_22 = arith.addf %add3A_17, %add3A_21 : vector<1000x128xf32>
    %max3A = arith.constant 0.000000e+00 : f32
    %max3A_23 = vector.broadcast %max3A : f32 to vector<1000x128xf32>
    %max3A_24 = arith.maximumf %add3A_22, %max3A_23 : vector<1000x128xf32>
    %swap3A = arith.constant 0 : index
    %swap3A_25 = arith.constant 0 : index
    %swap3A_26 = vector.load %arg7[%swap3A, %swap3A_25] : memref<1000x128xf32, #tpu.memory_space<vmem>>, vector<1000x128xf32>
    tpu.vector_store %arg7[%swap3A, %swap3A_25], %max3A_24 {strides = array<i32>} : memref<1000x128xf32, #tpu.memory_space<vmem>>, vector<1000x128xf32>,
    return
  }
  func.func @transform_0(%arg0: i32) -> (i32, i32) {
    %c0_i32 = arith.constant 0 : i32
    %c0_i32_0 = arith.constant 0 : i32
    return %arg0, %c0_i32 : i32, i32
  }
  func.func @transform_1(%arg0: i32) -> (i32, i32) {
    %c0_i32 = arith.constant 0 : i32
    %c0_i32_0 = arith.constant 0 : i32
    return %arg0, %c0_i32 : i32, i32
  }
  func.func @transform_2(%arg0: i32) -> (i32, i32) {
    %c0_i32 = arith.constant 0 : i32
    %c0_i32_0 = arith.constant 0 : i32
    return %arg0, %c0_i32 : i32, i32
  }
  func.func @transform_3(%arg0: i32) -> (i32, i32) {
    %c0_i32 = arith.constant 0 : i32
    %c0_i32_0 = arith.constant 0 : i32
    %c0_i32_1 = arith.constant 0 : i32
    return %c0_i32, %c0_i32_0 : i32, i32
  }
  func.func @transform_4(%arg0: i32) -> (i32, i32) {
    %c0_i32 = arith.constant 0 : i32
    %c0_i32_0 = arith.constant 0 : i32
    %c0_i32_1 = arith.constant 0 : i32
    return %c0_i32, %c0_i32_0 : i32, i32
  }
  func.func @transform_5(%arg0: i32) -> (i32, i32) {
    %c0_i32 = arith.constant 0 : i32
    %c0_i32_0 = arith.constant 0 : i32
    %c0_i32_1 = arith.constant 0 : i32
    return %c0_i32, %c0_i32_0 : i32, i32
  }
  func.func @transform_6(%arg0: i32) -> (i32, i32) {
    %c0_i32 = arith.constant 0 : i32
    %c0_i32_0 = arith.constant 0 : i32
    return %arg0, %c0_i32 : i32, i32
  }
}

</mosaic_0001>

<sc_bundles>
// kernel: kernel.6.cloned.1.call-start
scs
__scs_entry_jumppad:
0x0: {  	(pc) =	sbr.rel $0x88, $3  }
0x1: {  	(tag) =	ssettag $0x0;
	lr =	simm.s32 $0x1  }
0x2: {  	[smem:$0x3F9A] =	sst lr;
	_ =	strace $0xD0000000  }
0x3: {  	_ = 	snop  }
0x4: {  	_ = 	snop  }
0x5: {  	_ = 	snop  }
0x6: {  	_ = 	snop  }
0x7: {  	_ = 	snop  }
__scs_overlays_trampoline_lowered:
0x8: {  	[smem:$0x3FA9] =	sst s0  }
0x9: {  	[smem:$0x3FAA] =	sst s1  }
0xa: {  	[smem:$0x3FAB] =	sst s2  }
0xb: {  	[smem:$0x3FAC] =	sst s3  }
0xc: {  	[smem:$0x3FAD] =	sst s4  }
0xd: {  	[smem:$0x3FAE] =	sst s5  }
0xe: {  	[smem:$0x3FAF] =	sst s6  }
0xf: {  	[smem:$0x3FB0] =	sst s7  }
0x10: {  	[smem:$0x3FB1] =	sst s8  }
0x11: {  	[smem:$0x3FB2] =	sst s9;
	s0 =	simm.s32 @!p0 $0x0  }
0x12: {  	s1 =	sld [smem:$0x3F98];
	s0 =	simm.s32 @p0 $0x1  }
0x13: {  	[smem:$0x3FB3] =	sst s0;
	s0 =	simm.s32 @!p1 $0x0  }
0x14: {  	s2 =	sld [smem:$0x3F97];
	s0 =	simm.s32 @p1 $0x1  }
0x15: {  	[smem:$0x3FB4] =	sst s0;
	s0 =	simm.s32 @!p2 $0x0  }
0x16: {  	s3 =	sld [smem:$0x3FDB];
	s0 =	simm.s32 @p2 $0x1  }
0x17: {  	s4 =	simm.s32 $0x1BF5;
	[smem:$0x3FB6] =	sst s0  }
0x18: {  	s0 =	sld [smem:$0x3F99];
	_ =	swait.ge [sflag:s4], $0x0  }
0x19: {  	s7 =	sld [smem:$0x3F9A]  }
0x1a: {  	s8 =	sadd.s32 $0xFFFFE003, lr  }
0x1b: {  	s9 =	sadd.s32 $0xFFFFFEF7, lr;
	s5 =	simm.s32 $0xFFFFFFFF;
	p2 =	slt.u32 s8, $0xFFFFF086  }
0x1c: {  	p1 =	slt.u32 s9, $0xF7A;
	s5 =	simm.s32 @!p2 $0x0  }
0x1d: {  	s5 =	simm.s32 @p1 $0x1;
	p0 =	seq.s32 s7, s2  }
0x1e: {  	s7 =	smul.u32 @!p0 $0xF7A, s2;
	p2 =	seq.s32 @!p0 s5, $0x0  }
0x1f: {  	s9 =	smul.u32 $0xF7A, s1;
	s8 =	simm.s32 @!p0 $0x1BF5;
	p2 =	por !p2, p0  }
0x20: {  	[sflag:s8] =	ssyncset.s32 @!p0 $0xFFFFF086;
	s6 =	sadd.s32 @!p0 s3, s7;
	s7 =	simm.s32 @!p0 $0x108  }
0x21: {  	s3 =	sadd.s32 s3, s9;
	s6 =	sadd.s32 @!p0 $0x88, s6;
	s7 =	simm.s32 @p2 $0x1082  }
0x22: {  	[simem:s7], [sflag:s8] =	dma.local @!p0 [hbm:s6], $0xF7A  }
0x23: {  	s9 =	sor.u32 $0xD0000000, s2;
	s6 =	simm.s32 $0x108;
	_ =	swait.ge @!p0 [sflag:s8], $0x0  }
0x24: {  	s3 =	sadd.s32 $0x88, s3;
	s6 =	simm.s32 @!p1 $0x1082;
	[sflag:s4] =	ssyncset.s32 $0xFFFFF086  }
0x25: {  	[simem:s6], [sflag:s4] =	dma.local [hbm:s3], $0xF7A  }
0x26: {  	[smem:$0x3F9A] =	sst s1;
	(tag) =	ssettag s2;
	_ =	strace s9  }
0x27: {  	s1 =	sld [smem:$0x3FAA]  }
0x28: {  	s2 =	sld [smem:$0x3FAB]  }
0x29: {  	s4 =	sld [smem:$0x3FAD]  }
0x2a: {  	p0 =	seq.s32 s5, $0x0;
	s5 =	sld [smem:$0x3FAE]  }
0x2b: {  	s6 =	sld [smem:$0x3FAF]  }
0x2c: {  	s7 =	sld [smem:$0x3FB0]  }
0x2d: {  	s3 =	simm.s32 $0x108;
	s8 =	sld [smem:$0x3FB1]  }
0x2e: {  	s3 =	simm.s32 @!p0 $0x1082;
	s9 =	sld [smem:$0x3FB2]  }
0x2f: {  	lr =	sadd.s32 s0, s3;
	s0 =	sld [smem:$0x3FA9]  }
0x30: {  	s3 =	sld [smem:$0x3FAC]  }
0x31: {  	[smem:$0x3FB5] =	sst s10  }
0x32: {  	s10 =	sld [smem:$0x3FB3];
	_ =	sdelay $0x3  }
0x33: {  	p0 =	seq.s32 s10, $0x1;
	s10 =	sld [smem:$0x3FB5];
	_ =	sdelay $0x3  }
0x34: {  	[smem:$0x3FB5] =	sst s10  }
0x35: {  	s10 =	sld [smem:$0x3FB4];
	_ =	sdelay $0x3  }
0x36: {  	p1 =	seq.s32 s10, $0x1;
	s10 =	sld [smem:$0x3FB5];
	_ =	sdelay $0x3  }
0x37: {  	[smem:$0x3FB5] =	sst s10  }
0x38: {  	s10 =	sld [smem:$0x3FB6]  }
0x39: {  	_ = 	snop;
	(pc) =	sbr.ind lr, $3  }
0x3a: {  	_ = 	snop  }
0x3b: {  	_ = 	snop  }
0x3c: {  	p2 =	seq.s32 s10, $0x1;
	s10 =	sld [smem:$0x3FB5]  }
0x3d: {  	_ =	shalt  }
0x3e: {  	_ =	shalt  }
0x3f: {  	_ =	shalt  }
0x40: {  	_ =	shalt  }
0x41: {  	_ =	shalt  }
0x42: {  	_ =	shalt  }
0x43: {  	_ =	shalt  }
0x44: {  	_ =	shalt  }
0x45: {  	_ =	shalt  }
0x46: {  	_ =	shalt  }
0x47: {  	_ =	shalt  }
0x48: {  	_ =	shalt  }
0x49: {  	_ =	shalt  }
0x4a: {  	_ =	shalt  }
0x4b: {  	_ =	shalt  }
0x4c: {  	_ =	shalt  }
0x4d: {  	_ =	shalt  }
0x4e: {  	_ =	shalt  }
0x4f: {  	_ =	shalt  }
0x50: {  	_ =	shalt  }
0x51: {  	_ =	shalt  }
0x52: {  	_ =	shalt  }
0x53: {  	_ =	shalt  }
0x54: {  	_ =	shalt  }
0x55: {  	_ =	shalt  }
0x56: {  	_ =	shalt  }
0x57: {  	_ =	shalt  }
0x58: {  	_ =	shalt  }
0x59: {  	_ =	shalt  }
0x5a: {  	_ =	shalt  }
0x5b: {  	_ =	shalt  }
0x5c: {  	_ =	shalt  }
0x5d: {  	_ =	shalt  }
0x5e: {  	_ =	shalt  }
0x5f: {  	_ =	shalt  }
0x60: {  	_ =	shalt  }
0x61: {  	_ =	shalt  }
0x62: {  	_ =	shalt  }
0x63: {  	_ =	shalt  }
0x64: {  	_ =	shalt  }
0x65: {  	_ =	shalt  }
0x66: {  	_ =	shalt  }
0x67: {  	_ =	shalt  }
0x68: {  	_ =	shalt  }
0x69: {  	_ =	shalt  }
0x6a: {  	_ =	shalt  }
0x6b: {  	_ =	shalt  }
0x6c: {  	_ =	shalt  }
0x6d: {  	_ =	shalt  }
0x6e: {  	_ =	shalt  }
0x6f: {  	_ =	shalt  }
0x70: {  	_ =	shalt  }
0x71: {  	_ =	shalt  }
0x72: {  	_ =	shalt  }
0x73: {  	_ =	shalt  }
0x74: {  	_ =	shalt  }
0x75: {  	_ =	shalt  }
0x76: {  	_ =	shalt  }
0x77: {  	_ =	shalt  }
0x78: {  	_ =	shalt  }
0x79: {  	_ =	shalt  }
0x7a: {  	_ =	shalt  }
0x7b: {  	_ =	shalt  }
0x7c: {  	_ =	shalt  }
0x7d: {  	_ =	shalt  }
0x7e: {  	_ =	shalt  }
0x7f: {  	_ =	shalt  }
0x80: {  	_ =	shalt  }
0x81: {  	_ =	shalt  }
0x82: {  	_ =	shalt  }
0x83: {  	_ =	shalt  }
0x84: {  	_ =	shalt  }
0x85: {  	_ =	shalt  }
0x86: {  	_ =	shalt  }
0x87: {  	_ =	shalt  }
.Lfunc_end0:
.L_simem_size_0:
called_computation_lowered:
.L_overlay_start_0:
0x88: {  	s2 =	sld [smem:$0x3FD9]  }
0x89: {  	s3 =	sld [smem:$0x3FFE];
	_ =	sdelay $0x1  }
0x8a: {  	s1 =	srdreg.scid  }
0x8b: {  	s0 =	sand.u32 $0x1, s1  }
0x8c: {  	s17 =	sshll.u32 s0, $0xA;
	s2 =	sadd.s32 s3, s2  }
0x8d: {  	s2 =	sadd.s32 s2, s17  }
0x8e: {  	[smem:$0x3FC1] =	sst s2  }
0x8f: {  	_ = 	snop  }
0x90: {  	s2 =	sld [smem:$0x3FD0];
	(tm) =	ssettm $0x1  }
0x91: {  	s18 =	sld [smem:$0x3FFB];
	_ =	sdelay $0x3  }
0x92: {  	_ =	strace s18  }
0x93: {  	s3 =	sld [smem:$0x3FFC];
	_ =	sdelay $0x3  }
0x94: {  	_ =	strace s3  }
0x95: {  	s3 =	sld [smem:$0x3FFD];
	_ =	sdelay $0x3  }
0x96: {  	_ =	strace s3  }
0x97: {  	_ =	strace $0x8FFFFFFF  }
0x98: {  	s19 =	sld [smem:$0x3FDB];
	_ =	sdelay $0x1  }
0x99: {  	s4 =	simm.s32 $_scs_section_size  }
0x9a: {  	s5 =	simm.s32 $_size__tile_overlayer_lowered;
	s6 =	simm.s32 $_tile_overlayer_lowered  }
0x9b: {  	s22 =	simm.s32 $0x1BFF;
	s21 =	sshll.u32 s6, $0x1;
	s3 =	sadd.s32 s4, s19  }
0x9c: {  	s7 =	simm.s32 $0x0;
	s20 =	sshll.u32 s5, $0x1;
	s5 =	sadd.s32 s21, s3  }
0x9d: {  	[timem:s7], [sflag:s22] =	dma.local [hbm:s5], s20  }
0x9e: {  	_ =	swait.ge [sflag:s22], s20  }
0x9f: {  	s4 =	ssub.s32 $0x0, s20;
	[sflag:s22] =	ssyncset.done $0x0  }
0xa0: {  	[sflag:s22] =	ssyncadd.s32 s4;
	_ =	sdelay $0x1  }
0xa1: {  	s23 =	simm.s32 $0x1B8B  }
0xa2: {  	_ =	swait.ge [sflag:s23], $0x1  }
0xa3: {  	[sflag:s23] =	ssyncset.done $0x0  }
0xa4: {  	s25 =	simm.s32 $0x1B8E;
	s24 =	sld [smem:$0x3FFE];
	[sflag:s23] =	ssyncadd.s32 $0xFFFFFFFF  }
0xa5: {  	s26 =	simm.s32 $execute0_lowered;
	[smem:$0x3FD2] =	sst s25  }
0xa6: {  	s5 =	sshll.u32 s26, $0x1;
	_ =	strace $0x80000046;
	[dreg:$0x1] =	wrdreg $0xFFFFFFFF  }
0xa7: {  	s28 =	simm.s32 $_size_execute0_lowered;
	s3 =	sadd.s32 s3, s5;
	[dreg:$0x0] =	wrdreg $0x0  }
0xa8: {  	s5 =	sshll.u32 s28, $0x1;
	[dreg:$0x2] =	wrdreg s3  }
0xa9: {  	[dreg:$0x3] =	wrdreg s5  }
0xaa: {  	[dreg:$0x4] =	wrdreg $0xC0  }
0xab: {  	_ =	task [dreg:s7], $0x5FFFF  }
0xac: {  	[dreg:$0x1] =	wrdreg $0xFFFFFFFF  }
0xad: {  	[dreg:$0x0] =	wrdreg $0x60  }
0xae: {  	[dreg:$0x2] =	wrdreg s2  }
0xaf: {  	[dreg:$0x3] =	wrdreg s24  }
0xb0: {  	[dreg:$0x4] =	wrdreg $0xA9000  }
0xb1: {  	[dreg:$0x5] =	wrdreg $0x9  }
0xb2: {  	_ =	task.clear_ibuf [dreg:s7], $0x6FFFF;
	_ =	strace $0x90000046  }
0xb3: {  	s29 =	simm.s32 $0x9;
	_ =	strace $0x80000048  }
0xb4: {  	_ =	swait.ge [sflag:s29], $0x1  }
0xb5: {  	[sflag:s29] =	ssyncadd.s32 $0xFFFFFFFF  }
0xb6: {  	_ =	strace $0x90000048  }
0xb7: {  	_ =	sfence  }
0xb8: {  	s30 =	sld [smem:$0x0];
	_ =	sdelay $0x2  }
0xb9: {  	s31 =	sshll.u32 s1, $0xD;
	s1 =	sshrl.u32 s1, $0x2  }
0xba: {  	s3 =	sand.u32 $0x4000, s31;
	s1 =	sadd.s32 s1, s30  }
0xbb: {  	s0 =	sor.u32 s3, s0;
	s1 =	sshll.u32 s1, $0x11  }
0xbc: {  	s0 =	sor.u32 s1, s0  }
0xbd: {  	s0 =	sadd.s32 $0x8F2B, s0  }
0xbe: {  	[sflag:s0] =	ssyncadd.remote.s32 $0x1  }
0xbf: {  	_ =	sfence.sel $0xFFFF  }
0xc0: {  	[dreg:$0x0] =	wrdreg $0xFFFFFFFF;
	(pc) =	sbr.abs _section_cstart, $3  }
0xc1: {  	[dreg:$0x1] =	wrdreg $0xFFFFFFFF  }
0xc2: {  	_ =	task.clear_ibuf [dreg:s7], $0x2FFFF;
	_ =	strace $0x9FFFFFFF  }
0xc3: {  	(tm) =	ssettm $0x7FFFFFFF  }
tec
execute0_lowered:
.L_overlay_start_1:
0x0: {  	(tag) =	ssettag $0x1  }
0x1: {  	s1 =	rddreg [dreg:$0x0]  }
0x2: {  	s0 =	rddreg [dreg:$0x1]  }
0x3: {  	s2 =	rddreg [dreg:$0x2];
	s4 =	simm.s32 $0x0  }
0x4: {  	s3 =	srdreg.scid;
	s13 =	stileid.u32;
	s31 =	simm.s32 $0x7  }
0x5: {  	s28 =	simm.s32 $0x2;
	s29 =	simm.s32 $0x4;
	s30 =	simm.s32 $0x6  }
0x6: {  	[smem:$0x7FF] =	sst s4;
	s3 =	sand.u32 $0x1, s3;
	s8 =	smul.u32 $0x1F400, s13  }
0x7: {  	s9 =	sshll.u32 s13, $0x1;
	s5 =	sadd.s32 $0x15000, s0;
	s12 =	smul.u32 $0x7D000, s13  }
0x8: {  	s7 =	smul.u32 $0x138800, s3;
	s9 =	sor.u32 s3, s9;
	s3 =	ssub.s32 $0x2, s3  }
0x9: {  	s6 =	sadd.s32 $0xB200, s0;
	s11 =	sshrl.u32 s3, $0x1;
	s23 =	sshrl.u32 s12, $0x2  }
0xa: {  	p0 =	sgt.u32 s13, $0x9;
	s3 =	ssub.s32 s3, s11;
	s11 =	sadd.s32 s23, s2  }
0xb: {  	s13 =	simm.s32 $0x900;
	_ =	strace $0x80000047;
	s25 =	sadd.s32 $0x2800, s11  }
0xc: {  	s8 =	sadd.s32 s8, s7;
	s26 =	sadd.s32 $0x5000, s11;
	[dreg:$0x7] =	wrdreg s25  }
0xd: {  	s7 =	smul.u32 $0x2710, s9;
	s12 =	sadd.s32 $0xA000, s11;
	[dreg:$0x8] =	wrdreg s26  }
0xe: {  	s9 =	smul.u32 $0x27100, s9;
	s14 =	sadd.s32 $0xC800, s11;
	[dreg:$0xa] =	wrdreg s12  }
0xf: {  	s10 =	sshrl.u32 s8, $0x3;
	s15 =	sadd.s32 $0xF000, s11;
	[dreg:$0xb] =	wrdreg s14  }
0x10: {  	s8 =	sadd.s32 $0x1400, s0;
	s16 =	sadd.s32 $0x11800, s11;
	[dreg:$0xc] =	wrdreg s15  }
0x11: {  	s17 =	sadd.s32 $0x14000, s11;
	s23 =	sadd.s32 $0x16800, s11;
	[dreg:$0xd] =	wrdreg s16  }
0x12: {  	s0 =	sadd.s32 s10, s0;
	s22 =	sshrl.u32 s7, $0x3;
	[dreg:$0xe] =	wrdreg s17  }
0x13: {  	s9 =	sadd.s32 s5, s9;
	s20 =	sadd.s32 $0x50, s7;
	[dreg:$0x13] =	wrdreg s23  }
0x14: {  	s25 =	sadd.s32 $0x1B800, s11;
	s26 =	sadd.s32 $0x1E000, s11;
	[dreg:$0x6] =	wrdreg s9  }
0x15: {  	s14 =	simm.s32 $0x800;
	s15 =	simm.s32 $0x5900;
	[dreg:$0x15] =	wrdreg s25  }
0x16: {  	s16 =	simm.s32 $0x3100;
	s24 =	sadd.s32 s6, s22;
	[dreg:$0x16] =	wrdreg s26  }
0x17: {  	s17 =	simm.s32 $0x880;
	s10 =	sadd.s32 s8, s22;
	[dreg:$0x4] =	wrdreg s24  }
0x18: {  	s18 =	sshrl.u32 s20, $0x3;
	s0 =	sadd.s32 $0x4F7000, s0;
	[dreg:$0x5] =	wrdreg s10  }
0x19: {  	s19 =	sshll.u32 s20, $0x4;
	s22 =	smax.u32 s3, $0x1;
	[dreg:$0x11] =	wrdreg s0  }
0x1a: {  	s26 =	simm.s32 $0x5;
	s10 =	sadd.s32 $0x7800, s11;
	[dreg:$0x12] =	wrdreg s22  }
0x1b: {  	s3 =	simm.s32 $0x0;
	s9 =	sadd.s32 s8, s18;
	[dreg:$0x9] =	wrdreg s10  }
0x1c: {  	s21 =	sadd.s32 s5, s19;
	s24 =	sadd.s32 $0x19000, s11;
	[dreg:$0xf] =	wrdreg s9  }
0x1d: {  	s0 =	simm.s32 $0x50;
	s18 =	simm.s32 $0x8100;
	[dreg:$0x10] =	wrdreg s21  }
0x1e: {  	v0 =	vimm.f32 $0.0e+00;
	s19 =	simm.s32 $0x1;
	[dreg:$0x14] =	wrdreg s24;
	s21 =	simm.s32 $0x3  }
.LBB2_1:
0x1f: {  	s9 =	rddreg [dreg:$0x4]  }
0x20: {  	[tilespmem:s4], [sflag:$0x7] =	stream.linear.gather [hbm4b:s9+s4], $0x7D0, $0x38;
	[tilespmem:$0x1E180] =	vst v63  }
0x21: {  	_ =	swait.ge [sflag:s31], $0x7D0  }
0x22: {  	[sflag:s31] =	ssyncset.done $0x0  }
0x23: {  	[sflag:s31] =	ssyncadd.s32 $0xFFFFF830  }
0x24: {  	[tilespmem:s13], [sflag:$0x1] =	stream.indirect.gather [hbm4b:s1+s0], $0x80, s4, s0, $0xb8;
	[tilespmem:$0x1E180] =	vst v63  }
.Ltmp0:
0x25: {  	_ = 	snop;
	(pc) =	sbr.rel @p0 .LBB2_5-.Ltmp0, $4  }
0x26: {  	s24 =	rddreg [dreg:$0x5]  }
0x27: {  	[tilespmem:s14], [sflag:$0x5] =	stream.linear.gather [hbm4b:s24+s4], $0x50, $0x38;
	[tilespmem:$0x1E180] =	vst v63  }
0x28: {  	s25 =	rddreg [dreg:$0x6]  }
0x29: {  	[tilespmem:s15], [sflag:$0x3] =	stream.linear.gather [hbm4b:s25+s4], $0x2800, $0x38;
	[tilespmem:$0x1E180] =	vst v63  }
0x2a: {  	s9 =	sshra.s32 s4, $0x2;
	s10 =	sadd.s32 $0x200, s4  }
.LBB2_3:
0x2b: {  	p1 =	sne.s32 s10, $0x9E00;
	[tilespmem:s9+$0x3170] =	vst v0  }
0x2c: {  	[tilespmem:s9+$0x3100] =	vst v0  }
0x2d: {  	[tilespmem:s9+$0x3110] =	vst v0  }
.Ltmp1:
0x2e: {  	[tilespmem:s9+$0x3120] =	vst v0;
	(pc) =	sbr.rel @p1 .LBB2_3-.Ltmp1, $4  }
0x2f: {  	[tilespmem:s9+$0x3130] =	vst v0  }
0x30: {  	[tilespmem:s9+$0x3140] =	vst v0  }
0x31: {  	[tilespmem:s9+$0x3150] =	vst v0  }
0x32: {  	[tilespmem:s9+$0x3160] =	vst v0;
	s9 =	sshra.s32 s10, $0x2;
	s10 =	sadd.s32 $0x200, s10  }
0x33: {  	[tilespmem:s9+$0x3170] =	vst v0  }
0x34: {  	[tilespmem:s9+$0x3100] =	vst v0  }
0x35: {  	[tilespmem:s9+$0x3110] =	vst v0  }
0x36: {  	[tilespmem:s9+$0x3120] =	vst v0  }
0x37: {  	[tilespmem:s9+$0x3130] =	vst v0  }
0x38: {  	[tilespmem:s9+$0x3140] =	vst v0  }
0x39: {  	[tilespmem:s9+$0x3150] =	vst v0  }
0x3a: {  	[tilespmem:s9+$0x3160] =	vst v0  }
0x3b: {  	[spmem:s11] =	stream.linear.scatter [tilespmem:s16], [sflag:$0x7], $0x2800, $0x38;
	[tilespmem:$0x1E180] =	vst v63  }
0x3c: {  	_ =	swait.ge [sflag:s31], $0x2800  }
0x3d: {  	[sflag:s31] =	ssyncset.done $0x0  }
0x3e: {  	s10 =	rddreg [dreg:$0x7];
	[sflag:s31] =	ssyncadd.s32 $0xFFFFD800  }
0x3f: {  	[spmem:s10] =	stream.linear.scatter [tilespmem:s16], [sflag:$0x7], $0x2800, $0x38;
	[tilespmem:$0x1E180] =	vst v63  }
0x40: {  	_ =	swait.ge [sflag:s31], $0x2800  }
0x41: {  	[sflag:s31] =	ssyncset.done $0x0  }
0x42: {  	s12 =	rddreg [dreg:$0x8];
	[sflag:s31] =	ssyncadd.s32 $0xFFFFD800  }
0x43: {  	[spmem:s12] =	stream.linear.scatter [tilespmem:s16], [sflag:$0x7], $0x2800, $0x38;
	[tilespmem:$0x1E180] =	vst v63  }
0x44: {  	_ =	swait.ge [sflag:s31], $0x2800  }
0x45: {  	[sflag:s31] =	ssyncset.done $0x0  }
0x46: {  	s22 =	rddreg [dreg:$0x9];
	[sflag:s31] =	ssyncadd.s32 $0xFFFFD800  }
0x47: {  	[spmem:s22] =	stream.linear.scatter [tilespmem:s16], [sflag:$0x7], $0x2800, $0x38;
	[tilespmem:$0x1E180] =	vst v63  }
0x48: {  	_ =	swait.ge [sflag:s31], $0x2800  }
0x49: {  	[sflag:s31] =	ssyncset.done $0x0  }
0x4a: {  	s23 =	rddreg [dreg:$0xa];
	[sflag:s31] =	ssyncadd.s32 $0xFFFFD800  }
0x4b: {  	[spmem:s23] =	stream.linear.scatter [tilespmem:s16], [sflag:$0x7], $0x2800, $0x38;
	[tilespmem:$0x1E180] =	vst v63  }
0x4c: {  	_ =	swait.ge [sflag:s31], $0x2800  }
0x4d: {  	[sflag:s31] =	ssyncset.done $0x0  }
0x4e: {  	s24 =	rddreg [dreg:$0xb];
	[sflag:s31] =	ssyncadd.s32 $0xFFFFD800  }
0x4f: {  	[spmem:s24] =	stream.linear.scatter [tilespmem:s16], [sflag:$0x7], $0x2800, $0x38;
	[tilespmem:$0x1E180] =	vst v63  }
0x50: {  	_ =	swait.ge [sflag:s31], $0x2800  }
0x51: {  	[sflag:s31] =	ssyncset.done $0x0  }
0x52: {  	s25 =	rddreg [dreg:$0xc];
	[sflag:s31] =	ssyncadd.s32 $0xFFFFD800  }
0x53: {  	[spmem:s25] =	stream.linear.scatter [tilespmem:s16], [sflag:$0x7], $0x2800, $0x38;
	[tilespmem:$0x1E180] =	vst v63  }
0x54: {  	_ =	swait.ge [sflag:s31], $0x2800  }
0x55: {  	[sflag:s31] =	ssyncset.done $0x0  }
0x56: {  	s10 =	rddreg [dreg:$0xd];
	[sflag:s31] =	ssyncadd.s32 $0xFFFFD800  }
0x57: {  	[spmem:s10] =	stream.linear.scatter [tilespmem:s16], [sflag:$0x7], $0x2800, $0x38;
	[tilespmem:$0x1E180] =	vst v63  }
0x58: {  	_ =	swait.ge [sflag:s31], $0x2800  }
0x59: {  	[sflag:s31] =	ssyncset.done $0x0  }
0x5a: {  	s12 =	rddreg [dreg:$0xe];
	[sflag:s31] =	ssyncadd.s32 $0xFFFFD800  }
0x5b: {  	[spmem:s12] =	stream.linear.scatter [tilespmem:s16], [sflag:$0x7], $0x2800, $0x38;
	[tilespmem:$0x1E180] =	vst v63  }
0x5c: {  	_ =	swait.ge [sflag:s31], $0x2800  }
0x5d: {  	[sflag:s31] =	ssyncset.done $0x0  }
0x5e: {  	s22 =	rddreg [dreg:$0x13];
	[sflag:s31] =	ssyncadd.s32 $0xFFFFD800  }
0x5f: {  	[spmem:s22] =	stream.linear.scatter [tilespmem:s16], [sflag:$0x7], $0x2800, $0x38;
	[tilespmem:$0x1E180] =	vst v63  }
0x60: {  	_ =	swait.ge [sflag:s31], $0x2800  }
0x61: {  	[sflag:s31] =	ssyncset.done $0x0  }
0x62: {  	s23 =	rddreg [dreg:$0x14];
	[sflag:s31] =	ssyncadd.s32 $0xFFFFD800  }
0x63: {  	[spmem:s23] =	stream.linear.scatter [tilespmem:s16], [sflag:$0x7], $0x2800, $0x38;
	[tilespmem:$0x1E180] =	vst v63  }
0x64: {  	_ =	swait.ge [sflag:s31], $0x2800  }
0x65: {  	[sflag:s31] =	ssyncset.done $0x0  }
0x66: {  	s24 =	rddreg [dreg:$0x15];
	[sflag:s31] =	ssyncadd.s32 $0xFFFFD800  }
0x67: {  	[spmem:s24] =	stream.linear.scatter [tilespmem:s16], [sflag:$0x7], $0x2800, $0x38;
	[tilespmem:$0x1E180] =	vst v63  }
0x68: {  	_ =	swait.ge [sflag:s31], $0x2800  }
0x69: {  	[sflag:s31] =	ssyncset.done $0x0  }
0x6a: {  	s25 =	rddreg [dreg:$0x16];
	[sflag:s31] =	ssyncadd.s32 $0xFFFFD800  }
0x6b: {  	[spmem:s25] =	stream.linear.scatter [tilespmem:s16], [sflag:$0x7], $0x1400, $0x38;
	[tilespmem:$0x1E180] =	vst v63  }
0x6c: {  	_ =	swait.ge [sflag:s31], $0x1400  }
0x6d: {  	[sflag:s31] =	ssyncset.done $0x0  }
0x6e: {  	[sflag:s31] =	ssyncadd.s32 $0xFFFFEC00  }
.LBB2_5:
0x6f: {  	[tilespmem:s16], [sflag:$0x2] =	stream.indirect.gather [hbm4b:s1+s0], $0x80, s0, s0, $0xb8;
	[tilespmem:$0x1E180] =	vst v63  }
0x70: {  	s9 =	simm.s32 $0x0;
	s10 =	rddreg [dreg:$0xf]  }
0x71: {  	[tilespmem:s17], [sflag:$0x6] =	stream.linear.gather [hbm4b:s10+s9], $0x50, $0x38;
	[tilespmem:$0x1E180] =	vst v63  }
0x72: {  	s25 =	rddreg [dreg:$0x10]  }
0x73: {  	[tilespmem:s18], [sflag:$0x4] =	stream.linear.gather [hbm4b:s25+s9], $0x2800, $0x38;
	[tilespmem:$0x1E180] =	vst v63  }
0x74: {  	[bflag:$0x0] =	sbarrier.arrive $0xFFFF  }
.LBB2_6:
0x75: {  	p1 =	seq.s32 s9, $0x0  }
0x76: {  	s10 =	smul.u32 @!p1 $0x7D0, s9;
	_ =	sdelay $0x1  }
0x77: {  	s12 =	sadd.s32 @!p1 s7, s10  }
0x78: {  	s22 =	sshrl.u32 @!p1 s12, $0x3  }
0x79: {  	s24 =	simm.s32 @!p1 $0x0;
	s23 =	sadd.s32 @!p1 s6, s22  }
0x7a: {  	[tilespmem:s24], [sflag:$0x7] =	stream.linear.gather @!p1 [hbm4b:s23+s24], $0x7D0, $0x38;
	[tilespmem:$0x1E180] =	vst v63  }
0x7b: {  	s23 =	simm.s32 @!p1 $0x7  }
0x7c: {  	_ =	swait.ge @!p1 [sflag:s23], $0x7D0  }
0x7d: {  	[sflag:s23] =	ssyncset.done @!p1 $0x0  }
0x7e: {  	s25 =	simm.s32 @!p1 $0x900;
	[sflag:s23] =	ssyncadd.s32 @!p1 $0xFFFFF830;
	s23 =	simm.s32 @!p1 $0x50  }
0x7f: {  	[tilespmem:s25], [sflag:$0x1] =	stream.indirect.gather @!p1 [hbm4b:s1+s23], $0x80, s24, s23, $0xb8;
	[tilespmem:$0x1E180] =	vst v63  }
0x80: {  	s12 =	sshll.u32 @!p1 s12, $0x4;
	s22 =	sadd.s32 @!p1 s8, s22;
	s25 =	simm.s32 @!p1 $0x800  }
0x81: {  	[tilespmem:s25], [sflag:$0x5] =	stream.linear.gather @!p1 [hbm4b:s22+s24], $0x50, $0x38;
	[tilespmem:$0x1E180] =	vst v63  }
0x82: {  	s12 =	sadd.s32 @!p1 s5, s12;
	s22 =	simm.s32 @!p1 $0x5900  }
0x83: {  	[tilespmem:s22], [sflag:$0x3] =	stream.linear.gather @!p1 [hbm4b:s12+s24], $0x2800, $0x38;
	[tilespmem:$0x1E180] =	vst v63  }
0x84: {  	s10 =	sadd.s32 @!p1 s10, s20;
	s12 =	simm.s32 @!p1 $0x3100  }
0x85: {  	[tilespmem:s12], [sflag:$0x2] =	stream.indirect.gather @!p1 [hbm4b:s1+s23], $0x80, s23, s23, $0xb8;
	[tilespmem:$0x1E180] =	vst v63  }
0x86: {  	s12 =	sshrl.u32 @!p1 s10, $0x3  }
0x87: {  	s22 =	simm.s32 @!p1 $0x880;
	s10 =	sshll.u32 @!p1 s10, $0x4;
	s12 =	sadd.s32 @!p1 s8, s12  }
0x88: {  	[tilespmem:s22], [sflag:$0x6] =	stream.linear.gather @!p1 [hbm4b:s12+s24], $0x50, $0x38;
	[tilespmem:$0x1E180] =	vst v63  }
0x89: {  	s10 =	sadd.s32 @!p1 s5, s10;
	s12 =	simm.s32 @!p1 $0x8100  }
0x8a: {  	[tilespmem:s12], [sflag:$0x4] =	stream.linear.gather @!p1 [hbm4b:s10+s24], $0x2800, $0x38;
	[tilespmem:$0x1E180] =	vst v63  }
0x8b: {  	s10 =	smul.u32 $0x19, s9;
	s12 =	simm.s32 $0x0  }
.LBB2_7:
0x8c: {  	_ =	swait.ge [sflag:s19], $0x2800  }
0x8d: {  	[sflag:s19] =	ssyncset.done $0x0  }
0x8e: {  	[sflag:s19] =	ssyncadd.s32 $0xFFFFD800  }
0x8f: {  	_ =	swait.ge [sflag:s21], $0x2800  }
0x90: {  	[sflag:s21] =	ssyncset.done $0x0  }
0x91: {  	[sflag:s21] =	ssyncadd.s32 $0xFFFFD800  }
0x92: {  	_ =	swait.ge [sflag:s26], $0x50  }
0x93: {  	[sflag:s26] =	ssyncset.done $0x0  }
0x94: {  	s22 =	simm.s32 $0x0;
	[sflag:s26] =	ssyncadd.s32 $0xFFFFFFB0  }
0x95: {  	v7 =	vld [tilespmem:s22+$0x5900]  }
0x96: {  	v12 =	vld [tilespmem:s22+$0x5910]  }
0x97: {  	v6 =	vld [tilespmem:s22+$0x5920]  }
0x98: {  	v5 =	vld [tilespmem:s22+$0x5930]  }
0x99: {  	v4 =	vld [tilespmem:s22+$0x5940]  }
0x9a: {  	v3 =	vld [tilespmem:s22+$0x5950]  }
0x9b: {  	v2 =	vld [tilespmem:s22+$0x5960]  }
0x9c: {  	v1 =	vld [tilespmem:s22+$0x5970]  }
0x9d: {  	v13 =	vld [tilespmem:s22+$0x900]  }
0x9e: {  	v14 =	vld [tilespmem:s22+$0x910]  }
0x9f: {  	v11 =	vld [tilespmem:s22+$0x920]  }
0xa0: {  	v10 =	vld [tilespmem:s22+$0x930]  }
0xa1: {  	v9 =	vld [tilespmem:s22+$0x940]  }
0xa2: {  	v8 =	vld [tilespmem:s22+$0x950];
	v13 =	vadd.f32 v7, v13  }
0xa3: {  	s23 =	simm.s32 $0x200;
	v12 =	vadd.f32 v12, v14;
	v7 =	vld [tilespmem:s22+$0x960]  }
.LBB2_8:
0xa4: {  	s24 =	sshra.s32 s23, $0x2;
	p1 =	sne.s32 s23, $0x9E00;
	v13 =	vmax.f32 v13, $0.0e+00;
	v6 =	vadd.f32 v6, v11;
	v11 =	vld [tilespmem:s22+$0x970]  }
0xa5: {  	v14 =	vld [tilespmem:s24+$0x5900];
	[tilespmem:s22+$0x900] =	vst v13;
	v12 =	vmax.f32 v12, $0.0e+00;
	v5 =	vadd.f32 v5, v10  }
0xa6: {  	v15 =	vld [tilespmem:s24+$0x5910];
	[tilespmem:s22+$0x910] =	vst v12;
	v10 =	vmax.f32 v6, $0.0e+00;
	v4 =	vadd.f32 v4, v9  }
0xa7: {  	v6 =	vld [tilespmem:s24+$0x5920];
	[tilespmem:s22+$0x920] =	vst v10;
	v9 =	vmax.f32 v5, $0.0e+00;
	v3 =	vadd.f32 v3, v8  }
0xa8: {  	v5 =	vld [tilespmem:s24+$0x5930];
	[tilespmem:s22+$0x930] =	vst v9;
	v8 =	vmax.f32 v4, $0.0e+00;
	v2 =	vadd.f32 v2, v7  }
0xa9: {  	v4 =	vld [tilespmem:s24+$0x5940];
	[tilespmem:s22+$0x940] =	vst v8;
	v7 =	vmax.f32 v3, $0.0e+00;
	v1 =	vadd.f32 v1, v11  }
0xaa: {  	v3 =	vld [tilespmem:s24+$0x5950];
	[tilespmem:s22+$0x950] =	vst v7;
	v7 =	vmax.f32 v2, $0.0e+00  }
0xab: {  	v2 =	vld [tilespmem:s24+$0x5960];
	[tilespmem:s22+$0x960] =	vst v7;
	v7 =	vmax.f32 v1, $0.0e+00  }
0xac: {  	v1 =	vld [tilespmem:s24+$0x5970];
	[tilespmem:s22+$0x970] =	vst v7;
	s22 =	smov.u32 s24  }
0xad: {  	v7 =	vld [tilespmem:s22+$0x900]  }
0xae: {  	v12 =	vld [tilespmem:s22+$0x910]  }
.Ltmp2:
0xaf: {  	v11 =	vld [tilespmem:s22+$0x920];
	(pc) =	sbr.rel @p1 .LBB2_8-.Ltmp2, $4  }
0xb0: {  	v10 =	vld [tilespmem:s22+$0x930]  }
0xb1: {  	v9 =	vld [tilespmem:s22+$0x940]  }
0xb2: {  	v13 =	vadd.f32 v14, v7;
	v8 =	vld [tilespmem:s22+$0x950]  }
0xb3: {  	s23 =	sadd.s32 $0x200, s23;
	v12 =	vadd.f32 v15, v12;
	v7 =	vld [tilespmem:s22+$0x960]  }
0xb4: {  	v13 =	vmax.f32 v13, $0.0e+00;
	v6 =	vadd.f32 v6, v11;
	v11 =	vld [tilespmem:s22+$0x970]  }
0xb5: {  	[tilespmem:s22+$0x900] =	vst v13;
	v12 =	vmax.f32 v12, $0.0e+00;
	v5 =	vadd.f32 v5, v10  }
0xb6: {  	[tilespmem:s22+$0x910] =	vst v12;
	v6 =	vmax.f32 v6, $0.0e+00;
	v4 =	vadd.f32 v4, v9  }
0xb7: {  	[tilespmem:s22+$0x920] =	vst v6;
	v5 =	vmax.f32 v5, $0.0e+00;
	v3 =	vadd.f32 v3, v8  }
0xb8: {  	[tilespmem:s22+$0x930] =	vst v5;
	v4 =	vmax.f32 v4, $0.0e+00;
	v2 =	vadd.f32 v2, v7  }
0xb9: {  	[tilespmem:s22+$0x940] =	vst v4;
	v3 =	vmax.f32 v3, $0.0e+00;
	v1 =	vadd.f32 v1, v11  }
0xba: {  	[tilespmem:s22+$0x950] =	vst v3;
	v2 =	vmax.f32 v2, $0.0e+00  }
0xbb: {  	[tilespmem:s22+$0x960] =	vst v2;
	v1 =	vmax.f32 v1, $0.0e+00  }
0xbc: {  	[tilespmem:s22+$0x970] =	vst v1;
	s22 =	sshll.u32 s12, $0x1  }
0xbd: {  	[spmem:s2] =	stream.indirect.scatter.add.f32 [tilespmem:s13], [sflag:$0x7], $0x80, s14, s0, $0xb8;
	[tilespmem:$0x1E180] =	vst v63  }
0xbe: {  	s23 =	sadd.s32 $0x2, s22  }
0xbf: {  	_ =	swait.ge [sflag:s31], $0x2800;
	s24 =	smul.u32 $0x140, s23  }
0xc0: {  	s23 =	sadd.s32 s10, s23;
	[sflag:s31] =	ssyncset.done $0x0  }
0xc1: {  	s23 =	smul.u32 $0x50, s23;
	[sflag:s31] =	ssyncadd.s32 $0xFFFFD800;
	s24 =	sshra.s32 s24, $0x2  }
0xc2: {  	[tilespmem:s13], [sflag:$0x1] =	stream.indirect.gather [hbm4b:s1+s0], $0x80, s24, s0, $0xb8;
	[tilespmem:$0x1E180] =	vst v63  }
0xc3: {  	s23 =	sadd.s32 s7, s23  }
0xc4: {  	s25 =	sshrl.u32 s23, $0x3  }
0xc5: {  	s23 =	sshll.u32 s23, $0x4;
	s24 =	sadd.s32 s8, s25;
	s25 =	simm.s32 $0x0  }
0xc6: {  	[tilespmem:s14], [sflag:$0x5] =	stream.linear.gather [hbm4b:s24+s25], $0x50, $0x38;
	[tilespmem:$0x1E180] =	vst v63  }
0xc7: {  	s23 =	sadd.s32 s5, s23  }
0xc8: {  	[tilespmem:s15], [sflag:$0x3] =	stream.linear.gather [hbm4b:s23+s25], $0x2800, $0x38;
	[tilespmem:$0x1E180] =	vst v63  }
0xc9: {  	_ =	swait.ge [sflag:s28], $0x2800  }
0xca: {  	[sflag:s28] =	ssyncset.done $0x0  }
0xcb: {  	[sflag:s28] =	ssyncadd.s32 $0xFFFFD800  }
0xcc: {  	_ =	swait.ge [sflag:s29], $0x2800  }
0xcd: {  	[sflag:s29] =	ssyncset.done $0x0  }
0xce: {  	[sflag:s29] =	ssyncadd.s32 $0xFFFFD800  }
0xcf: {  	_ =	swait.ge [sflag:s30], $0x50  }
0xd0: {  	[sflag:s30] =	ssyncset.done $0x0  }
0xd1: {  	s23 =	simm.s32 $0x0;
	[sflag:s30] =	ssyncadd.s32 $0xFFFFFFB0  }
0xd2: {  	v7 =	vld [tilespmem:s23+$0x8100]  }
0xd3: {  	v12 =	vld [tilespmem:s23+$0x8110]  }
0xd4: {  	v6 =	vld [tilespmem:s23+$0x8120]  }
0xd5: {  	v5 =	vld [tilespmem:s23+$0x8130]  }
0xd6: {  	v4 =	vld [tilespmem:s23+$0x8140]  }
0xd7: {  	v3 =	vld [tilespmem:s23+$0x8150]  }
0xd8: {  	v2 =	vld [tilespmem:s23+$0x8160]  }
0xd9: {  	v1 =	vld [tilespmem:s23+$0x8170]  }
0xda: {  	v13 =	vld [tilespmem:s23+$0x3100]  }
0xdb: {  	v14 =	vld [tilespmem:s23+$0x3110]  }
0xdc: {  	v11 =	vld [tilespmem:s23+$0x3120]  }
0xdd: {  	v10 =	vld [tilespmem:s23+$0x3130]  }
0xde: {  	v9 =	vld [tilespmem:s23+$0x3140]  }
0xdf: {  	v8 =	vld [tilespmem:s23+$0x3150];
	v13 =	vadd.f32 v7, v13  }
0xe0: {  	s24 =	simm.s32 $0x200;
	v12 =	vadd.f32 v12, v14;
	v7 =	vld [tilespmem:s23+$0x3160]  }
.LBB2_10:
0xe1: {  	s25 =	sshra.s32 s24, $0x2;
	p1 =	sne.s32 s24, $0x9E00;
	v13 =	vmax.f32 v13, $0.0e+00;
	v6 =	vadd.f32 v6, v11;
	v11 =	vld [tilespmem:s23+$0x3170]  }
0xe2: {  	v14 =	vld [tilespmem:s25+$0x8100];
	[tilespmem:s23+$0x3100] =	vst v13;
	v12 =	vmax.f32 v12, $0.0e+00;
	v5 =	vadd.f32 v5, v10  }
0xe3: {  	v15 =	vld [tilespmem:s25+$0x8110];
	[tilespmem:s23+$0x3110] =	vst v12;
	v10 =	vmax.f32 v6, $0.0e+00;
	v4 =	vadd.f32 v4, v9  }
0xe4: {  	v6 =	vld [tilespmem:s25+$0x8120];
	[tilespmem:s23+$0x3120] =	vst v10;
	v9 =	vmax.f32 v5, $0.0e+00;
	v3 =	vadd.f32 v3, v8  }
0xe5: {  	v5 =	vld [tilespmem:s25+$0x8130];
	[tilespmem:s23+$0x3130] =	vst v9;
	v8 =	vmax.f32 v4, $0.0e+00;
	v2 =	vadd.f32 v2, v7  }
0xe6: {  	v4 =	vld [tilespmem:s25+$0x8140];
	[tilespmem:s23+$0x3140] =	vst v8;
	v7 =	vmax.f32 v3, $0.0e+00;
	v1 =	vadd.f32 v1, v11  }
0xe7: {  	v3 =	vld [tilespmem:s25+$0x8150];
	[tilespmem:s23+$0x3150] =	vst v7;
	v7 =	vmax.f32 v2, $0.0e+00  }
0xe8: {  	v2 =	vld [tilespmem:s25+$0x8160];
	[tilespmem:s23+$0x3160] =	vst v7;
	v7 =	vmax.f32 v1, $0.0e+00  }
0xe9: {  	v1 =	vld [tilespmem:s25+$0x8170];
	[tilespmem:s23+$0x3170] =	vst v7;
	s23 =	smov.u32 s25  }
0xea: {  	v7 =	vld [tilespmem:s23+$0x3100]  }
0xeb: {  	v12 =	vld [tilespmem:s23+$0x3110]  }
.Ltmp3:
0xec: {  	v11 =	vld [tilespmem:s23+$0x3120];
	(pc) =	sbr.rel @p1 .LBB2_10-.Ltmp3, $4  }
0xed: {  	v10 =	vld [tilespmem:s23+$0x3130]  }
0xee: {  	v9 =	vld [tilespmem:s23+$0x3140]  }
0xef: {  	v13 =	vadd.f32 v14, v7;
	v8 =	vld [tilespmem:s23+$0x3150]  }
0xf0: {  	s24 =	sadd.s32 $0x200, s24;
	v12 =	vadd.f32 v15, v12;
	v7 =	vld [tilespmem:s23+$0x3160]  }
0xf1: {  	v13 =	vmax.f32 v13, $0.0e+00;
	v6 =	vadd.f32 v6, v11;
	v63 =	vld [tilespmem:s23+$0x3170]  }
0xf2: {  	[tilespmem:s23+$0x3100] =	vst v13;
	v12 =	vmax.f32 v12, $0.0e+00;
	v5 =	vadd.f32 v5, v10  }
0xf3: {  	[tilespmem:s23+$0x3110] =	vst v12;
	v6 =	vmax.f32 v6, $0.0e+00;
	v4 =	vadd.f32 v4, v9  }
0xf4: {  	[tilespmem:s23+$0x3120] =	vst v6;
	v5 =	vmax.f32 v5, $0.0e+00;
	v3 =	vadd.f32 v3, v8  }
0xf5: {  	[tilespmem:s23+$0x3130] =	vst v5;
	v4 =	vmax.f32 v4, $0.0e+00;
	v2 =	vadd.f32 v2, v7  }
0xf6: {  	[tilespmem:s23+$0x3140] =	vst v4;
	v3 =	vmax.f32 v3, $0.0e+00;
	v1 =	vadd.f32 v1, v63  }
0xf7: {  	[tilespmem:s23+$0x3150] =	vst v3;
	v2 =	vmax.f32 v2, $0.0e+00  }
0xf8: {  	p1 =	seq.s32 s12, $0xB;
	[tilespmem:s23+$0x3160] =	vst v2;
	v1 =	vmax.f32 v1, $0.0e+00  }
.Ltmp4:
0xf9: {  	[tilespmem:s23+$0x3170] =	vst v1;
	(pc) =	sbr.rel @p1 .LBB2_13-.Ltmp4, $4  }
0xfa: {  	[spmem:s2] =	stream.indirect.scatter.add.f32 [tilespmem:s16], [sflag:$0x7], $0x80, s17, s0, $0xb8;
	[tilespmem:$0x1E180] =	vst v63  }
0xfb: {  	_ =	swait.ge [sflag:s31], $0x2800  }
0xfc: {  	[sflag:s31] =	ssyncset.done $0x0  }
0xfd: {  	[sflag:s31] =	ssyncadd.s32 $0xFFFFD800  }
0xfe: {  	s22 =	sadd.s32 $0x3, s22  }
0xff: {  	s23 =	smul.u32 $0x140, s22  }
0x100: {  	s22 =	sadd.s32 s10, s22  }
0x101: {  	s22 =	smul.u32 $0x50, s22;
	s23 =	sshra.s32 s23, $0x2  }
0x102: {  	[tilespmem:s16], [sflag:$0x2] =	stream.indirect.gather [hbm4b:s1+s0], $0x80, s23, s0, $0xb8;
	[tilespmem:$0x1E180] =	vst v63  }
0x103: {  	s22 =	sadd.s32 s7, s22  }
.Ltmp5:
0x104: {  	s25 =	sshrl.u32 s22, $0x3;
	(pc) =	sbr.rel .LBB2_7-.Ltmp5, $4  }
0x105: {  	s22 =	sshll.u32 s22, $0x4;
	s23 =	sadd.s32 s8, s25  }
0x106: {  	[tilespmem:s17], [sflag:$0x6] =	stream.linear.gather [hbm4b:s23+s4], $0x50, $0x38;
	[tilespmem:$0x1E180] =	vst v63  }
0x107: {  	s12 =	sadd.s32 $0x1, s12;
	s22 =	sadd.s32 s5, s22  }
0x108: {  	[tilespmem:s18], [sflag:$0x4] =	stream.linear.gather [hbm4b:s22+s4], $0x2800, $0x38;
	[tilespmem:$0x1E180] =	vst v63  }
.LBB2_13:
0x109: {  	_ =	swait.ge [sflag:s19], $0x2800  }
0x10a: {  	[sflag:s19] =	ssyncset.done $0x0  }
0x10b: {  	[sflag:s19] =	ssyncadd.s32 $0xFFFFD800  }
0x10c: {  	_ =	swait.ge [sflag:s21], $0x2800  }
0x10d: {  	[sflag:s21] =	ssyncset.done $0x0  }
0x10e: {  	[sflag:s21] =	ssyncadd.s32 $0xFFFFD800  }
0x10f: {  	_ =	swait.ge [sflag:s26], $0x50  }
0x110: {  	[sflag:s26] =	ssyncset.done $0x0  }
0x111: {  	s10 =	simm.s32 $0x0;
	[sflag:s26] =	ssyncadd.s32 $0xFFFFFFB0  }
0x112: {  	v7 =	vld [tilespmem:s10+$0x5900]  }
0x113: {  	v12 =	vld [tilespmem:s10+$0x5910]  }
0x114: {  	v6 =	vld [tilespmem:s10+$0x5920]  }
0x115: {  	v5 =	vld [tilespmem:s10+$0x5930]  }
0x116: {  	v4 =	vld [tilespmem:s10+$0x5940]  }
0x117: {  	v3 =	vld [tilespmem:s10+$0x5950]  }
0x118: {  	v2 =	vld [tilespmem:s10+$0x5960]  }
0x119: {  	v1 =	vld [tilespmem:s10+$0x5970]  }
0x11a: {  	v13 =	vld [tilespmem:s10+$0x900]  }
0x11b: {  	v14 =	vld [tilespmem:s10+$0x910]  }
0x11c: {  	v11 =	vld [tilespmem:s10+$0x920]  }
0x11d: {  	v10 =	vld [tilespmem:s10+$0x930]  }
0x11e: {  	v9 =	vld [tilespmem:s10+$0x940]  }
0x11f: {  	v8 =	vld [tilespmem:s10+$0x950];
	v13 =	vadd.f32 v7, v13  }
0x120: {  	s12 =	simm.s32 $0x200;
	v12 =	vadd.f32 v12, v14;
	v7 =	vld [tilespmem:s10+$0x960]  }
.LBB2_14:
0x121: {  	s22 =	sshra.s32 s12, $0x2;
	p1 =	sne.s32 s12, $0x9E00;
	v13 =	vmax.f32 v13, $0.0e+00;
	v6 =	vadd.f32 v6, v11;
	v11 =	vld [tilespmem:s10+$0x970]  }
0x122: {  	v14 =	vld [tilespmem:s22+$0x5900];
	[tilespmem:s10+$0x900] =	vst v13;
	v12 =	vmax.f32 v12, $0.0e+00;
	v5 =	vadd.f32 v5, v10  }
0x123: {  	v15 =	vld [tilespmem:s22+$0x5910];
	[tilespmem:s10+$0x910] =	vst v12;
	v10 =	vmax.f32 v6, $0.0e+00;
	v4 =	vadd.f32 v4, v9  }
0x124: {  	v6 =	vld [tilespmem:s22+$0x5920];
	[tilespmem:s10+$0x920] =	vst v10;
	v9 =	vmax.f32 v5, $0.0e+00;
	v3 =	vadd.f32 v3, v8  }
0x125: {  	v5 =	vld [tilespmem:s22+$0x5930];
	[tilespmem:s10+$0x930] =	vst v9;
	v8 =	vmax.f32 v4, $0.0e+00;
	v2 =	vadd.f32 v2, v7  }
0x126: {  	v4 =	vld [tilespmem:s22+$0x5940];
	[tilespmem:s10+$0x940] =	vst v8;
	v7 =	vmax.f32 v3, $0.0e+00;
	v1 =	vadd.f32 v1, v11  }
0x127: {  	v3 =	vld [tilespmem:s22+$0x5950];
	[tilespmem:s10+$0x950] =	vst v7;
	v7 =	vmax.f32 v2, $0.0e+00  }
0x128: {  	v2 =	vld [tilespmem:s22+$0x5960];
	[tilespmem:s10+$0x960] =	vst v7;
	v7 =	vmax.f32 v1, $0.0e+00  }
0x129: {  	v1 =	vld [tilespmem:s22+$0x5970];
	[tilespmem:s10+$0x970] =	vst v7;
	s10 =	smov.u32 s22  }
0x12a: {  	v7 =	vld [tilespmem:s10+$0x900]  }
0x12b: {  	v12 =	vld [tilespmem:s10+$0x910]  }
.Ltmp6:
0x12c: {  	v11 =	vld [tilespmem:s10+$0x920];
	(pc) =	sbr.rel @p1 .LBB2_14-.Ltmp6, $4  }
0x12d: {  	v10 =	vld [tilespmem:s10+$0x930]  }
0x12e: {  	v9 =	vld [tilespmem:s10+$0x940]  }
0x12f: {  	v13 =	vadd.f32 v14, v7;
	v8 =	vld [tilespmem:s10+$0x950]  }
0x130: {  	s12 =	sadd.s32 $0x200, s12;
	v12 =	vadd.f32 v15, v12;
	v7 =	vld [tilespmem:s10+$0x960]  }
0x131: {  	v13 =	vmax.f32 v13, $0.0e+00;
	v6 =	vadd.f32 v6, v11;
	v63 =	vld [tilespmem:s10+$0x970]  }
0x132: {  	[tilespmem:s10+$0x900] =	vst v13;
	v12 =	vmax.f32 v12, $0.0e+00;
	v5 =	vadd.f32 v5, v10  }
0x133: {  	[tilespmem:s10+$0x910] =	vst v12;
	v6 =	vmax.f32 v6, $0.0e+00;
	v4 =	vadd.f32 v4, v9  }
0x134: {  	[tilespmem:s10+$0x920] =	vst v6;
	v5 =	vmax.f32 v5, $0.0e+00;
	v3 =	vadd.f32 v3, v8  }
0x135: {  	[tilespmem:s10+$0x930] =	vst v5;
	v4 =	vmax.f32 v4, $0.0e+00;
	v2 =	vadd.f32 v2, v7  }
0x136: {  	[tilespmem:s10+$0x940] =	vst v4;
	v3 =	vmax.f32 v3, $0.0e+00;
	v1 =	vadd.f32 v1, v63  }
0x137: {  	s9 =	sadd.s32 $0x1, s9;
	[tilespmem:s10+$0x950] =	vst v3;
	v2 =	vmax.f32 v2, $0.0e+00  }
0x138: {  	p1 =	sne.s32 s9, $0x5;
	[tilespmem:s10+$0x960] =	vst v2;
	v1 =	vmax.f32 v1, $0.0e+00  }
.Ltmp7:
0x139: {  	[tilespmem:s10+$0x970] =	vst v1;
	(pc) =	sbr.rel @p1 .LBB2_6-.Ltmp7, $4  }
0x13a: {  	[spmem:s2] =	stream.indirect.scatter.add.f32 [tilespmem:s13], [sflag:$0x7], $0x80, s14, s0, $0xb8;
	[tilespmem:$0x1E180] =	vst v63  }
0x13b: {  	_ =	swait.ge [sflag:s31], $0x2800  }
0x13c: {  	[sflag:s31] =	ssyncset.done $0x0  }
0x13d: {  	[sflag:s31] =	ssyncadd.s32 $0xFFFFD800  }
0x13e: {  	s9 =	stileid.u32  }
0x13f: {  	[bflag:$0x0] =	sbarrier.arrive $0xFFFF;
	s9 =	sshll.u32 @!p0 s9, $0x6  }
0x140: {  	s10 =	sshrl.u32 @!p0 s11, $0x3;
	s12 =	rddreg [dreg:$0x11];
	s9 =	sor.u32 @!p0 $0x1C07, s9  }
0x141: {  	[hbm:s12], [sflag:s9] =	dma.local @!p0 [spmem:s10], $0x3E80  }
0x142: {  	s9 =	simm.s32 @!p0 $0x7  }
0x143: {  	_ =	swait.ge @!p0 [sflag:s9], $0x3E80  }
0x144: {  	s3 =	sadd.s32 $0x1, s3;
	s25 =	rddreg [dreg:$0x12]  }
0x145: {  	p1 =	sne.s32 s3, s25  }
.Ltmp8:
0x146: {  	_ = 	snop;
	(pc) =	sbr.rel @p1 .LBB2_1-.Ltmp8, $3  }
0x147: {  	_ =	sdelay $0x1  }
0x148: {  	[sflag:s9] =	ssyncset.done @!p0 $0x0  }
0x149: {  	[sflag:s9] =	ssyncadd.s32 @!p0 $0xFFFFC180  }
0x14a: {  	_ =	sfence.sel $0x180000  }
0x14b: {  	[bflag:$0x0] =	sbarrier.arrive $0xFFFF  }
0x14c: {  	_ =	strace $0x90000047  }
0x14d: {  	s0 =	stileid.u32;
	[bflag:$0x2] =	sbarrier.arrive $0xFFFF  }
0x14e: {  	p0 =	sne.s32 s0, $0x0;
	s0 =	rddreg [dreg:$0x3]  }
0x14f: {  	s0 =	sadd.s32 @!p0 $0x100000, s0  }
0x150: {  	[sflag:s0] =	ssyncadd.tile.s32 @!p0 $0x1;
	_ =	shalt  }
.Lfunc_end2:
_tile_overlayer_lowered:
.L_overlay_start_2:
0x151: {  	(tag) =	ssettag $0x2  }
0x152: {  	s0 =	rddreg [dreg:$0x0];
	s2 =	stileid.u32  }
0x153: {  	s1 =	rddreg [dreg:$0x1];
	p0 =	sne.s32 s2, $0x0  }
0x154: {  	s3 =	rddreg [dreg:$0x2];
	[bflag:$0x3] =	sbarrier.arrive $0xFFFF;
	s2 =	simm.s32 @!p0 $0x1C07  }
0x155: {  	[timem:s3], [sflag:s2] =	dma.local @!p0 [hbm:s0], s1  }
0x156: {  	s0 =	simm.s32 @!p0 $0x7  }
0x157: {  	_ =	swait.ge @!p0 [sflag:s0], s1  }
0x158: {  	s1 =	ssub.s32 @!p0 $0x0, s1;
	[sflag:s0] =	ssyncset.done @!p0 $0x0  }
0x159: {  	[sflag:s0] =	ssyncadd.s32 @!p0 s1  }
0x15a: {  	[bflag:$0x3] =	sbarrier.arrive $0xFFFF  }
0x15b: {  	_ =	shalt  }

</sc_bundles>
